<compile_context>
chip_gen: v7x
topology: tpu7x:2x2x1
jax: 0.10.2.dev20260603
libtpu: 0.0.44.dev20260713+nightly
codegen_flags: <defaults>
</compile_context>

<pallas_src>
import functools

import jax
import jax.numpy as jnp
from jax import lax
from jax.experimental import pallas as pl
from jax.experimental.pallas import tpu as pltpu
from jax.experimental.pallas import tpu_sc as plsc

N_NEURONS = 8192
D_STATE = 256
B = 4096

NC = 2
NS = 16
NW = NC * NS
B_PER_W = B // NW
LANES = 16
G = 4
NGROUPS = B_PER_W // G
SIG_CHUNK = 32


def _body(idx_hbm, idx4_hbm, sig_hbm, conn_hbm, sigs_out, conns_out,
          idx_all, idx4_mine, sig_buf,
          row0, row1, out0, out1, shared_out,
          sem_in0, sem_in1, sem_out0, sem_out1, sem_sig):
    wid = lax.axis_index("s") * NC + lax.axis_index("c")
    base = wid * B_PER_W
    gbase = wid * NGROUPS

    pltpu.sync_copy(idx_hbm, idx_all)
    pltpu.sync_copy(idx4_hbm.at[pl.ds(gbase, NGROUPS)], idx4_mine)

    def sig_step(c, _):
        pltpu.async_copy(
            sig_hbm.at[idx_all.at[pl.ds(base + c * SIG_CHUNK, SIG_CHUNK)]],
            sig_buf, sem_sig).wait()
        pltpu.sync_copy(sig_buf,
                        sigs_out.at[pl.ds(base + c * SIG_CHUNK, SIG_CHUNK)])
        return ()

    rows = (row0, row1)
    outs = (out0, out1)
    sems_in = (sem_in0, sem_in1)
    sems_out = (sem_out0, sem_out1)

    def start_in(g, b):
        pltpu.async_copy(conn_hbm.at[idx4_mine.at[g]], rows[b], sems_in[b])

    def wait_in(b):
        pltpu.make_async_copy(conn_hbm.at[idx4_mine.at[0]], rows[b],
                              sems_in[b]).wait()

    sid = lax.axis_index("s")

    def start_out(g, b):
        pltpu.sync_copy(outs[b], shared_out.at[sid])
        for j in range(G):
            pltpu.async_copy(shared_out.at[sid].at[pl.ds(j * B, B)],
                             conns_out.at[base + g * G + j], sems_out[0])

    def wait_out(b):
        for j in range(G):
            pltpu.make_async_copy(shared_out.at[sid].at[pl.ds(j * B, B)],
                                  conns_out.at[base + j], sems_out[0]).wait()

    def compute(b):
        rbuf = rows[b]
        obuf = outs[b]

        @plsc.parallel_loop(0, B // LANES, 1, unroll=8)
        def col_step(k):
            cols = idx_all[pl.ds(k * LANES, LANES)]
            for j in range(G):
                rj = jnp.full((LANES,), j, jnp.int32)
                vals = plsc.load_gather(rbuf, [rj, cols])
                obuf[pl.ds(j * B + k * LANES, LANES)] = vals

    start_in(0, 0)
    start_in(1, 1)
    lax.fori_loop(0, B_PER_W // SIG_CHUNK, sig_step, ())

    def group_pair(h, _):
        for b in range(2):
            g = 2 * h + b
            wait_in(b)
            compute(b)

            @pl.when(g > 0)
            def _():
                wait_out(b)

            start_out(g, b)

            @pl.when(g + 2 < NGROUPS)
            def _():
                start_in(g + 2, b)
        return ()

    lax.fori_loop(0, NGROUPS // 2, group_pair, ())
    wait_out(0)


@jax.jit
def _run(indices, idx4, neuron_signatures, connection_strength):
    mesh = plsc.VectorSubcoreMesh(core_axis_name="c", subcore_axis_name="s",
                                  num_cores=NC, num_subcores=NS)
    kern = functools.partial(
        pl.kernel,
        out_type=[
            jax.ShapeDtypeStruct((B, D_STATE), jnp.float32),
            jax.ShapeDtypeStruct((B, B), jnp.float32),
        ],
        mesh=mesh,
        compiler_params=pltpu.CompilerParams(needs_layout_passes=False),
        scratch_types=[
            pltpu.VMEM((B,), jnp.int32),
            pltpu.VMEM((NGROUPS, G), jnp.int32),
            pltpu.VMEM((SIG_CHUNK, D_STATE), jnp.float32),
            pltpu.VMEM((G, N_NEURONS), jnp.float32),
            pltpu.VMEM((G, N_NEURONS), jnp.float32),
            pltpu.VMEM((G * B,), jnp.float32),
            pltpu.VMEM((G * B,), jnp.float32),
            pltpu.VMEM_SHARED((NS, G * B), jnp.float32),
            pltpu.SemaphoreType.DMA,
            pltpu.SemaphoreType.DMA,
            pltpu.SemaphoreType.DMA,
            pltpu.SemaphoreType.DMA,
            pltpu.SemaphoreType.DMA,
        ],
    )(_body)
    return tuple(kern(indices, idx4, neuron_signatures, connection_strength))


def kernel(indices, neuron_signatures, connection_strength):
    idx = indices.astype(jnp.int32)
    return _run(idx, idx.reshape(B // G, G), neuron_signatures,
                connection_strength)

# --- scband reference (transcript-rebuilt; emitter-appended) ---
"""Pipeline reference for scband-global-neuron-pool-30571577213819 (READ-ONLY COPY).

The authoritative reference and input builder live on the scoring server;
editing this copy changes nothing except your own understanding.
"""

import jax, jax.numpy as jnp
import numpy as np
import math

N_NEURONS = 8192
D_STATE = 256
B = 4096

def setup_inputs(seed: int = 0) -> dict:
    key = jax.random.key(seed)
    k1, k2, k3 = jax.random.split(key, 3)
    indices = jax.random.randint(k1, (B,), 0, N_NEURONS, dtype=jnp.int64 if jax.config.jax_enable_x64 else jnp.int32)
    neuron_signatures = jax.random.normal(k2, (N_NEURONS, D_STATE), dtype=jnp.float32) / math.sqrt(D_STATE)
    connection_strength = jax.random.normal(k3, (N_NEURONS, N_NEURONS), dtype=jnp.float32) * 0.01
    return {"indices": indices, "neuron_signatures": neuron_signatures, "connection_strength": connection_strength}

def reference(indices, neuron_signatures, connection_strength):
    # get_signatures: gather rows of the signature table
    sigs = jnp.take(neuron_signatures, indices, axis=0)
    # get_connections: double gather -> [B, B] submatrix of connection strengths
    rows = jnp.take(connection_strength, indices, axis=0)
    conns = jnp.take(rows, indices, axis=1)
    return (sigs, conns)

if __name__ == "__main__":
    import jax
    _d = setup_inputs()
    print(jax.jit(kernel)(*tuple(_d.values())))

</pallas_src>

<mosaic_0001>
#map = affine_map<(d0, d1) -> (0)>
#map1 = affine_map<(d0, d1) -> (0, 0)>
module attributes {stable_mosaic.version = 14 : i64} {
  func.func @_body(%arg0: i32, %arg1: i32, %arg2: memref<4096xi32, #tpu.memory_space<hbm>>, %arg3: memref<1024x4xi32, #tpu.memory_space<hbm>>, %arg4: memref<8192x256xf32, #tpu.memory_space<hbm>>, %arg5: memref<8192x8192xf32, #tpu.memory_space<hbm>>, %arg6: memref<4096x256xf32, #tpu.memory_space<hbm>>, %arg7: memref<4096x4096xf32, #tpu.memory_space<hbm>>, %arg8: memref<4096xi32, #tpu.memory_space<vmem>>, %arg9: memref<32x4xi32, #tpu.memory_space<vmem>>, %arg10: memref<32x256xf32, #tpu.memory_space<vmem>>, %arg11: memref<4x8192xf32, #tpu.memory_space<vmem>>, %arg12: memref<4x8192xf32, #tpu.memory_space<vmem>>, %arg13: memref<16384xf32, #tpu.memory_space<vmem>>, %arg14: memref<16384xf32, #tpu.memory_space<vmem>>, %arg15: memref<16x16384xf32, #tpu.memory_space<vmem_shared>>, %arg16: memref<!tpu.dma_semaphore, #tpu.memory_space<semaphore_mem>>, %arg17: memref<!tpu.dma_semaphore, #tpu.memory_space<semaphore_mem>>, %arg18: memref<!tpu.dma_semaphore, #tpu.memory_space<semaphore_mem>>, %arg19: memref<!tpu.dma_semaphore, #tpu.memory_space<semaphore_mem>>, %arg20: memref<!tpu.dma_semaphore, #tpu.memory_space<semaphore_mem>>) attributes {dimension_semantics = [#tpu.dimension_semantics<core_parallel>, #tpu.dimension_semantics<subcore_parallel>], iteration_bounds = array<i64: 2, 16>, scalar_prefetch = 0 : i64, scratch_operands = 13 : i64, tpu.core_type = #tpu.core_type<sc_vector_subcore>, window_params = [{transform_indices = #map}, {transform_indices = #map1}, {transform_indices = #map1}, {transform_indices = #map1}, {transform_indices = #map1}, {transform_indices = #map1}]} {
    %mul3A = arith.constant 2 : i32
    %mul3A_0 = arith.muli %arg1, %mul3A : i32
    %add3A = arith.addi %mul3A_0, %arg0 : i32
    %mul3A_1 = arith.constant 128 : i32
    %mul3A_2 = arith.muli %add3A, %mul3A_1 : i32
    %mul3A_3 = arith.constant 32 : i32
    %mul3A_4 = arith.muli %add3A, %mul3A_3 : i32
    "tpu.region"() ({
      %run_scoped3A = tpu.sem_alloc : memref<!tpu.dma_semaphore, #tpu.memory_space<semaphore_mem>>
      tpu.enqueue_dma source(%arg2 : memref<4096xi32, #tpu.memory_space<hbm>>) target(%arg8 : memref<4096xi32, #tpu.memory_space<vmem>>) target_semaphore(%run_scoped3A : memref<!tpu.dma_semaphore, #tpu.memory_space<semaphore_mem>>)
      tpu.wait_dma2 semaphore(%run_scoped3A : memref<!tpu.dma_semaphore, #tpu.memory_space<semaphore_mem>>) src(%arg2 : memref<4096xi32, #tpu.memory_space<hbm>>) dst(%arg8 : memref<4096xi32, #tpu.memory_space<vmem>>)
      tpu.yield
    }) : () -> ()
    "tpu.region"() ({
      %run_scoped3A = tpu.sem_alloc : memref<!tpu.dma_semaphore, #tpu.memory_space<semaphore_mem>>
      %dma_start3A_66 = arith.constant 0 : i32
      %dma_start3A_67 = tpu.memref_slice %arg3[%mul3A_4, %dma_start3A_66] : memref<1024x4xi32, #tpu.memory_space<hbm>> -> memref<32x4xi32, #tpu.memory_space<hbm>>
      %dma_start3A_68 = arith.constant 0 : i32
      %dma_start3A_69 = tpu.memref_slice %arg3[%mul3A_4, %dma_start3A_68] : memref<1024x4xi32, #tpu.memory_space<hbm>> -> memref<32x4xi32, #tpu.memory_space<hbm>>
      tpu.enqueue_dma source(%dma_start3A_69 : memref<32x4xi32, #tpu.memory_space<hbm>>) target(%arg9 : memref<32x4xi32, #tpu.memory_space<vmem>>) target_semaphore(%run_scoped3A : memref<!tpu.dma_semaphore, #tpu.memory_space<semaphore_mem>>)
      %dma_wait3A_70 = arith.constant 0 : i32
      %dma_wait3A_71 = tpu.memref_slice %arg3[%mul3A_4, %dma_wait3A_70] : memref<1024x4xi32, #tpu.memory_space<hbm>> -> memref<32x4xi32, #tpu.memory_space<hbm>>
      %dma_wait3A_72 = arith.constant 0 : i32
      %dma_wait3A_73 = tpu.memref_slice %arg3[%mul3A_4, %dma_wait3A_72] : memref<1024x4xi32, #tpu.memory_space<hbm>> -> memref<32x4xi32, #tpu.memory_space<hbm>>
      tpu.wait_dma2 semaphore(%run_scoped3A : memref<!tpu.dma_semaphore, #tpu.memory_space<semaphore_mem>>) src(%dma_wait3A_73 : memref<32x4xi32, #tpu.memory_space<hbm>>) dst(%arg9 : memref<32x4xi32, #tpu.memory_space<vmem>>)
      tpu.yield
    }) : () -> ()
    %dma_start3A = arith.constant 0 : i32
    %dma_start3A_5 = arith.constant 0 : i32
    %dma_start3A_6 = tpu.memref_slice %arg9[%dma_start3A, %dma_start3A_5] : memref<32x4xi32, #tpu.memory_space<vmem>> -> memref<1x4xi32, #tpu.memory_space<vmem>>
    %dma_start3A_7 = tpu.memref_squeeze %dma_start3A_6 : memref<1x4xi32, #tpu.memory_space<vmem>> -> memref<4xi32, #tpu.memory_space<vmem>>
    %dma_start3A_8 = arith.constant 0 : i32
    %dma_start3A_9 = arith.constant 0 : i32
    %dma_start3A_10 = tpu.memref_slice %arg5[%dma_start3A_8, %dma_start3A_9] : memref<8192x8192xf32, #tpu.memory_space<hbm>> -> memref<8192x8192xf32, #tpu.memory_space<hbm>>
    tpu.enqueue_indirect_dma source(%dma_start3A_10 : memref<8192x8192xf32, #tpu.memory_space<hbm>>) target(%arg11 : memref<4x8192xf32, #tpu.memory_space<vmem>>) offsets(%dma_start3A_7 : memref<4xi32, #tpu.memory_space<vmem>>) semaphore(%arg16 : memref<!tpu.dma_semaphore, #tpu.memory_space<semaphore_mem>>)
    %dma_start3A_11 = arith.constant 1 : i32
    %dma_start3A_12 = arith.constant 0 : i32
    %dma_start3A_13 = tpu.memref_slice %arg9[%dma_start3A_11, %dma_start3A_12] : memref<32x4xi32, #tpu.memory_space<vmem>> -> memref<1x4xi32, #tpu.memory_space<vmem>>
    %dma_start3A_14 = tpu.memref_squeeze %dma_start3A_13 : memref<1x4xi32, #tpu.memory_space<vmem>> -> memref<4xi32, #tpu.memory_space<vmem>>
    %dma_start3A_15 = arith.constant 0 : i32
    %dma_start3A_16 = arith.constant 0 : i32
    %dma_start3A_17 = tpu.memref_slice %arg5[%dma_start3A_15, %dma_start3A_16] : memref<8192x8192xf32, #tpu.memory_space<hbm>> -> memref<8192x8192xf32, #tpu.memory_space<hbm>>
    tpu.enqueue_indirect_dma source(%dma_start3A_17 : memref<8192x8192xf32, #tpu.memory_space<hbm>>) target(%arg12 : memref<4x8192xf32, #tpu.memory_space<vmem>>) offsets(%dma_start3A_14 : memref<4xi32, #tpu.memory_space<vmem>>) semaphore(%arg17 : memref<!tpu.dma_semaphore, #tpu.memory_space<semaphore_mem>>)
    %scan3A = arith.constant 0 : i32
    %scan3A_18 = arith.constant 4 : i32
    %scan3A_19 = arith.addi %scan3A, %scan3A_18 : i32
    %scan3A_20 = arith.constant 1 : i32
    scf.for %scan3A_66 = %scan3A to %scan3A_19 step %scan3A_20  : i32 {
      %mul3A_67 = arith.constant 32 : i32
      %mul3A_68 = arith.muli %scan3A_66, %mul3A_67 : i32
      %add3A_69 = arith.addi %mul3A_2, %mul3A_68 : i32
      %dma_start3A_70 = tpu.memref_slice %arg8[%add3A_69] : memref<4096xi32, #tpu.memory_space<vmem>> -> memref<32xi32, #tpu.memory_space<vmem>>
      %dma_start3A_71 = arith.constant 0 : i32
      %dma_start3A_72 = arith.constant 0 : i32
      %dma_start3A_73 = tpu.memref_slice %arg4[%dma_start3A_71, %dma_start3A_72] : memref<8192x256xf32, #tpu.memory_space<hbm>> -> memref<8192x256xf32, #tpu.memory_space<hbm>>
      tpu.enqueue_indirect_dma source(%dma_start3A_73 : memref<8192x256xf32, #tpu.memory_space<hbm>>) target(%arg10 : memref<32x256xf32, #tpu.memory_space<vmem>>) offsets(%dma_start3A_70 : memref<32xi32, #tpu.memory_space<vmem>>) semaphore(%arg20 : memref<!tpu.dma_semaphore, #tpu.memory_space<semaphore_mem>>)
      %dma_wait3A_74 = tpu.memref_slice %arg8[%add3A_69] : memref<4096xi32, #tpu.memory_space<vmem>> -> memref<32xi32, #tpu.memory_space<vmem>>
      %dma_wait3A_75 = arith.constant 0 : i32
      %dma_wait3A_76 = arith.constant 0 : i32
      %dma_wait3A_77 = tpu.memref_slice %arg4[%dma_wait3A_75, %dma_wait3A_76] : memref<8192x256xf32, #tpu.memory_space<hbm>> -> memref<8192x256xf32, #tpu.memory_space<hbm>>
      tpu.wait_indirect_dma semaphore(%arg20 : memref<!tpu.dma_semaphore, #tpu.memory_space<semaphore_mem>>) src(%dma_wait3A_77 : memref<8192x256xf32, #tpu.memory_space<hbm>>) dst(%arg10 : memref<32x256xf32, #tpu.memory_space<vmem>>)
      %mul3A_78 = arith.constant 32 : i32
      %mul3A_79 = arith.muli %scan3A_66, %mul3A_78 : i32
      %add3A_80 = arith.addi %mul3A_2, %mul3A_79 : i32
      "tpu.region"() ({
        %run_scoped3A = tpu.sem_alloc : memref<!tpu.dma_semaphore, #tpu.memory_space<semaphore_mem>>
        %dma_start3A_81 = arith.constant 0 : i32
        %dma_start3A_82 = tpu.memref_slice %arg6[%add3A_80, %dma_start3A_81] : memref<4096x256xf32, #tpu.memory_space<hbm>> -> memref<32x256xf32, #tpu.memory_space<hbm>>
        %dma_start3A_83 = arith.constant 0 : i32
        %dma_start3A_84 = tpu.memref_slice %arg6[%add3A_80, %dma_start3A_83] : memref<4096x256xf32, #tpu.memory_space<hbm>> -> memref<32x256xf32, #tpu.memory_space<hbm>>
        tpu.enqueue_dma source(%arg10 : memref<32x256xf32, #tpu.memory_space<vmem>>) target(%dma_start3A_84 : memref<32x256xf32, #tpu.memory_space<hbm>>) target_semaphore(%run_scoped3A : memref<!tpu.dma_semaphore, #tpu.memory_space<semaphore_mem>>)
        %dma_wait3A_85 = arith.constant 0 : i32
        %dma_wait3A_86 = tpu.memref_slice %arg6[%add3A_80, %dma_wait3A_85] : memref<4096x256xf32, #tpu.memory_space<hbm>> -> memref<32x256xf32, #tpu.memory_space<hbm>>
        %dma_wait3A_87 = arith.constant 0 : i32
        %dma_wait3A_88 = tpu.memref_slice %arg6[%add3A_80, %dma_wait3A_87] : memref<4096x256xf32, #tpu.memory_space<hbm>> -> memref<32x256xf32, #tpu.memory_space<hbm>>
        tpu.wait_dma2 semaphore(%run_scoped3A : memref<!tpu.dma_semaphore, #tpu.memory_space<semaphore_mem>>) src(%arg10 : memref<32x256xf32, #tpu.memory_space<vmem>>) dst(%dma_wait3A_88 : memref<32x256xf32, #tpu.memory_space<hbm>>)
        tpu.yield
      }) : () -> ()
    }
    %scan3A_21 = arith.constant 4 : i32
    %scan3A_22 = arith.constant 0 : i32
    %scan3A_23 = arith.constant 16 : i32
    %scan3A_24 = arith.addi %scan3A_22, %scan3A_23 : i32
    %scan3A_25 = arith.constant 1 : i32
    scf.for %scan3A_66 = %scan3A_22 to %scan3A_24 step %scan3A_25  : i32 {
      %mul3A_67 = arith.constant 2 : i32
      %mul3A_68 = arith.muli %mul3A_67, %scan3A_66 : i32
      %add3A_69 = arith.constant 0 : i32
      %add3A_70 = arith.addi %mul3A_68, %add3A_69 : i32
      %dma_wait3A_71 = arith.constant 0 : i32
      %dma_wait3A_72 = arith.constant 0 : i32
      %dma_wait3A_73 = tpu.memref_slice %arg9[%dma_wait3A_71, %dma_wait3A_72] : memref<32x4xi32, #tpu.memory_space<vmem>> -> memref<1x4xi32, #tpu.memory_space<vmem>>
      %dma_wait3A_74 = tpu.memref_squeeze %dma_wait3A_73 : memref<1x4xi32, #tpu.memory_space<vmem>> -> memref<4xi32, #tpu.memory_space<vmem>>
      %dma_wait3A_75 = arith.constant 0 : i32
      %dma_wait3A_76 = arith.constant 0 : i32
      %dma_wait3A_77 = tpu.memref_slice %arg5[%dma_wait3A_75, %dma_wait3A_76] : memref<8192x8192xf32, #tpu.memory_space<hbm>> -> memref<8192x8192xf32, #tpu.memory_space<hbm>>
      tpu.wait_indirect_dma semaphore(%arg16 : memref<!tpu.dma_semaphore, #tpu.memory_space<semaphore_mem>>) src(%dma_wait3A_77 : memref<8192x8192xf32, #tpu.memory_space<hbm>>) dst(%arg11 : memref<4x8192xf32, #tpu.memory_space<vmem>>)
      %parallel_loop3A = arith.constant 0 : i32
      %parallel_loop3A_78 = arith.constant 256 : i32
      %parallel_loop3A_79 = arith.constant 1 : i32
      scf.for %parallel_loop3A_218 = %parallel_loop3A to %parallel_loop3A_78 step %parallel_loop3A_79  : i32 {
        %parallel_loop3A_219 = arith.constant 16 : i32
        %parallel_loop3A_220 = arith.muli %parallel_loop3A_218, %parallel_loop3A_219 : i32
        %parallel_loop3A_221 = arith.index_cast %parallel_loop3A_220 : i32 to index
        %parallel_loop3A_222 = tpu.vector_load %arg8[%parallel_loop3A_221] {strides = array<i32>} : memref<4096xi32, #tpu.memory_space<vmem>>, vector<16xi32>,
        %parallel_loop3A_223 = arith.constant 0 : i32
        %parallel_loop3A_224 = vector.broadcast %parallel_loop3A_223 : i32 to vector<16xi32>
        %parallel_loop3A_225 = tpu.vector_load_idx %arg11[%parallel_loop3A_224, %parallel_loop3A_222] : memref<4x8192xf32, #tpu.memory_space<vmem>>[vector<16xi32>, vector<16xi32>], vector<16xf32>,
        %parallel_loop3A_226 = arith.constant 16 : i32
        %parallel_loop3A_227 = arith.muli %parallel_loop3A_218, %parallel_loop3A_226 : i32
        %parallel_loop3A_228 = arith.constant 0 : i32
        %parallel_loop3A_229 = arith.addi %parallel_loop3A_228, %parallel_loop3A_227 : i32
        %parallel_loop3A_230 = arith.index_cast %parallel_loop3A_229 : i32 to index
        %parallel_loop3A_231 = tpu.vector_load %arg13[%parallel_loop3A_230] {strides = array<i32>} : memref<16384xf32, #tpu.memory_space<vmem>>, vector<16xf32>,
        tpu.vector_store %arg13[%parallel_loop3A_230], %parallel_loop3A_225 {strides = array<i32>} : memref<16384xf32, #tpu.memory_space<vmem>>, vector<16xf32>,
        %parallel_loop3A_232 = arith.constant 1 : i32
        %parallel_loop3A_233 = vector.broadcast %parallel_loop3A_232 : i32 to vector<16xi32>
        %parallel_loop3A_234 = tpu.vector_load_idx %arg11[%parallel_loop3A_233, %parallel_loop3A_222] : memref<4x8192xf32, #tpu.memory_space<vmem>>[vector<16xi32>, vector<16xi32>], vector<16xf32>,
        %parallel_loop3A_235 = arith.constant 16 : i32
        %parallel_loop3A_236 = arith.muli %parallel_loop3A_218, %parallel_loop3A_235 : i32
        %parallel_loop3A_237 = arith.constant 4096 : i32
        %parallel_loop3A_238 = arith.addi %parallel_loop3A_237, %parallel_loop3A_236 : i32
        %parallel_loop3A_239 = arith.index_cast %parallel_loop3A_238 : i32 to index
        %parallel_loop3A_240 = tpu.vector_load %arg13[%parallel_loop3A_239] {strides = array<i32>} : memref<16384xf32, #tpu.memory_space<vmem>>, vector<16xf32>,
        tpu.vector_store %arg13[%parallel_loop3A_239], %parallel_loop3A_234 {strides = array<i32>} : memref<16384xf32, #tpu.memory_space<vmem>>, vector<16xf32>,
        %parallel_loop3A_241 = arith.constant 2 : i32
        %parallel_loop3A_242 = vector.broadcast %parallel_loop3A_241 : i32 to vector<16xi32>
        %parallel_loop3A_243 = tpu.vector_load_idx %arg11[%parallel_loop3A_242, %parallel_loop3A_222] : memref<4x8192xf32, #tpu.memory_space<vmem>>[vector<16xi32>, vector<16xi32>], vector<16xf32>,
        %parallel_loop3A_244 = arith.constant 16 : i32
        %parallel_loop3A_245 = arith.muli %parallel_loop3A_218, %parallel_loop3A_244 : i32
        %parallel_loop3A_246 = arith.constant 8192 : i32
        %parallel_loop3A_247 = arith.addi %parallel_loop3A_246, %parallel_loop3A_245 : i32
        %parallel_loop3A_248 = arith.index_cast %parallel_loop3A_247 : i32 to index
        %parallel_loop3A_249 = tpu.vector_load %arg13[%parallel_loop3A_248] {strides = array<i32>} : memref<16384xf32, #tpu.memory_space<vmem>>, vector<16xf32>,
        tpu.vector_store %arg13[%parallel_loop3A_248], %parallel_loop3A_243 {strides = array<i32>} : memref<16384xf32, #tpu.memory_space<vmem>>, vector<16xf32>,
        %parallel_loop3A_250 = arith.constant 3 : i32
        %parallel_loop3A_251 = vector.broadcast %parallel_loop3A_250 : i32 to vector<16xi32>
        %parallel_loop3A_252 = tpu.vector_load_idx %arg11[%parallel_loop3A_251, %parallel_loop3A_222] : memref<4x8192xf32, #tpu.memory_space<vmem>>[vector<16xi32>, vector<16xi32>], vector<16xf32>,
        %parallel_loop3A_253 = arith.constant 16 : i32
        %parallel_loop3A_254 = arith.muli %parallel_loop3A_218, %parallel_loop3A_253 : i32
        %parallel_loop3A_255 = arith.constant 12288 : i32
        %parallel_loop3A_256 = arith.addi %parallel_loop3A_255, %parallel_loop3A_254 : i32
        %parallel_loop3A_257 = arith.index_cast %parallel_loop3A_256 : i32 to index
        %parallel_loop3A_258 = tpu.vector_load %arg13[%parallel_loop3A_257] {strides = array<i32>} : memref<16384xf32, #tpu.memory_space<vmem>>, vector<16xf32>,
        tpu.vector_store %arg13[%parallel_loop3A_257], %parallel_loop3A_252 {strides = array<i32>} : memref<16384xf32, #tpu.memory_space<vmem>>, vector<16xf32>,
      } {sc.loop_unroll_factor = 8 : i64, sc.parallel_access}
      %gt3A = arith.constant 0 : i32
      %gt3A_80 = arith.cmpi sgt, %add3A_70, %gt3A : i32
      %convert_element_type3A = arith.extui %gt3A_80 : i1 to i32
      %cond3A = arith.constant 0 : i32
      %cond3A_81 = arith.cmpi ne, %convert_element_type3A, %cond3A : i32
      scf.if %cond3A_81 {
        %add3A_218 = arith.constant 0 : i32
        %add3A_219 = arith.addi %mul3A_2, %add3A_218 : i32
        %dma_wait3A_220 = arith.constant 0 : i32
        %dma_wait3A_221 = tpu.memref_slice %arg7[%add3A_219, %dma_wait3A_220] : memref<4096x4096xf32, #tpu.memory_space<hbm>> -> memref<1x4096xf32, #tpu.memory_space<hbm>>
        %dma_wait3A_222 = tpu.memref_squeeze %dma_wait3A_221 : memref<1x4096xf32, #tpu.memory_space<hbm>> -> memref<4096xf32, #tpu.memory_space<hbm>>
        %dma_wait3A_223 = arith.constant 0 : i32
        %dma_wait3A_224 = tpu.memref_slice %arg15[%arg1, %dma_wait3A_223] : memref<16x16384xf32, #tpu.memory_space<vmem_shared>> -> memref<1x16384xf32, #tpu.memory_space<vmem_shared>>
        %dma_wait3A_225 = tpu.memref_squeeze %dma_wait3A_224 : memref<1x16384xf32, #tpu.memory_space<vmem_shared>> -> memref<16384xf32, #tpu.memory_space<vmem_shared>>
        %dma_wait3A_226 = arith.constant 0 : i32
        %dma_wait3A_227 = tpu.memref_slice %dma_wait3A_225[%dma_wait3A_226] : memref<16384xf32, #tpu.memory_space<vmem_shared>> -> memref<4096xf32, #tpu.memory_space<vmem_shared>>
        tpu.wait_dma2 semaphore(%arg18 : memref<!tpu.dma_semaphore, #tpu.memory_space<semaphore_mem>>) src(%dma_wait3A_227 : memref<4096xf32, #tpu.memory_space<vmem_shared>>) dst(%dma_wait3A_222 : memref<4096xf32, #tpu.memory_space<hbm>>)
        %add3A_228 = arith.constant 1 : i32
        %add3A_229 = arith.addi %mul3A_2, %add3A_228 : i32
        %dma_wait3A_230 = arith.constant 0 : i32
        %dma_wait3A_231 = tpu.memref_slice %arg7[%add3A_229, %dma_wait3A_230] : memref<4096x4096xf32, #tpu.memory_space<hbm>> -> memref<1x4096xf32, #tpu.memory_space<hbm>>
        %dma_wait3A_232 = tpu.memref_squeeze %dma_wait3A_231 : memref<1x4096xf32, #tpu.memory_space<hbm>> -> memref<4096xf32, #tpu.memory_space<hbm>>
        %dma_wait3A_233 = arith.constant 0 : i32
        %dma_wait3A_234 = tpu.memref_slice %arg15[%arg1, %dma_wait3A_233] : memref<16x16384xf32, #tpu.memory_space<vmem_shared>> -> memref<1x16384xf32, #tpu.memory_space<vmem_shared>>
        %dma_wait3A_235 = tpu.memref_squeeze %dma_wait3A_234 : memref<1x16384xf32, #tpu.memory_space<vmem_shared>> -> memref<16384xf32, #tpu.memory_space<vmem_shared>>
        %dma_wait3A_236 = arith.constant 4096 : i32
        %dma_wait3A_237 = tpu.memref_slice %dma_wait3A_235[%dma_wait3A_236] : memref<16384xf32, #tpu.memory_space<vmem_shared>> -> memref<4096xf32, #tpu.memory_space<vmem_shared>>
        tpu.wait_dma2 semaphore(%arg18 : memref<!tpu.dma_semaphore, #tpu.memory_space<semaphore_mem>>) src(%dma_wait3A_237 : memref<4096xf32, #tpu.memory_space<vmem_shared>>) dst(%dma_wait3A_232 : memref<4096xf32, #tpu.memory_space<hbm>>)
        %add3A_238 = arith.constant 2 : i32
        %add3A_239 = arith.addi %mul3A_2, %add3A_238 : i32
        %dma_wait3A_240 = arith.constant 0 : i32
        %dma_wait3A_241 = tpu.memref_slice %arg7[%add3A_239, %dma_wait3A_240] : memref<4096x4096xf32, #tpu.memory_space<hbm>> -> memref<1x4096xf32, #tpu.memory_space<hbm>>
        %dma_wait3A_242 = tpu.memref_squeeze %dma_wait3A_241 : memref<1x4096xf32, #tpu.memory_space<hbm>> -> memref<4096xf32, #tpu.memory_space<hbm>>
        %dma_wait3A_243 = arith.constant 0 : i32
        %dma_wait3A_244 = tpu.memref_slice %arg15[%arg1, %dma_wait3A_243] : memref<16x16384xf32, #tpu.memory_space<vmem_shared>> -> memref<1x16384xf32, #tpu.memory_space<vmem_shared>>
        %dma_wait3A_245 = tpu.memref_squeeze %dma_wait3A_244 : memref<1x16384xf32, #tpu.memory_space<vmem_shared>> -> memref<16384xf32, #tpu.memory_space<vmem_shared>>
        %dma_wait3A_246 = arith.constant 8192 : i32
        %dma_wait3A_247 = tpu.memref_slice %dma_wait3A_245[%dma_wait3A_246] : memref<16384xf32, #tpu.memory_space<vmem_shared>> -> memref<4096xf32, #tpu.memory_space<vmem_shared>>
        tpu.wait_dma2 semaphore(%arg18 : memref<!tpu.dma_semaphore, #tpu.memory_space<semaphore_mem>>) src(%dma_wait3A_247 : memref<4096xf32, #tpu.memory_space<vmem_shared>>) dst(%dma_wait3A_242 : memref<4096xf32, #tpu.memory_space<hbm>>)
        %add3A_248 = arith.constant 3 : i32
        %add3A_249 = arith.addi %mul3A_2, %add3A_248 : i32
        %dma_wait3A_250 = arith.constant 0 : i32
        %dma_wait3A_251 = tpu.memref_slice %arg7[%add3A_249, %dma_wait3A_250] : memref<4096x4096xf32, #tpu.memory_space<hbm>> -> memref<1x4096xf32, #tpu.memory_space<hbm>>
        %dma_wait3A_252 = tpu.memref_squeeze %dma_wait3A_251 : memref<1x4096xf32, #tpu.memory_space<hbm>> -> memref<4096xf32, #tpu.memory_space<hbm>>
        %dma_wait3A_253 = arith.constant 0 : i32
        %dma_wait3A_254 = tpu.memref_slice %arg15[%arg1, %dma_wait3A_253] : memref<16x16384xf32, #tpu.memory_space<vmem_shared>> -> memref<1x16384xf32, #tpu.memory_space<vmem_shared>>
        %dma_wait3A_255 = tpu.memref_squeeze %dma_wait3A_254 : memref<1x16384xf32, #tpu.memory_space<vmem_shared>> -> memref<16384xf32, #tpu.memory_space<vmem_shared>>
        %dma_wait3A_256 = arith.constant 12288 : i32
        %dma_wait3A_257 = tpu.memref_slice %dma_wait3A_255[%dma_wait3A_256] : memref<16384xf32, #tpu.memory_space<vmem_shared>> -> memref<4096xf32, #tpu.memory_space<vmem_shared>>
        tpu.wait_dma2 semaphore(%arg18 : memref<!tpu.dma_semaphore, #tpu.memory_space<semaphore_mem>>) src(%dma_wait3A_257 : memref<4096xf32, #tpu.memory_space<vmem_shared>>) dst(%dma_wait3A_252 : memref<4096xf32, #tpu.memory_space<hbm>>)
      } else {
      }
      "tpu.region"() ({
        %run_scoped3A = tpu.sem_alloc : memref<!tpu.dma_semaphore, #tpu.memory_space<semaphore_mem>>
        %dma_start3A_218 = arith.constant 0 : i32
        %dma_start3A_219 = tpu.memref_slice %arg15[%arg1, %dma_start3A_218] : memref<16x16384xf32, #tpu.memory_space<vmem_shared>> -> memref<1x16384xf32, #tpu.memory_space<vmem_shared>>
        %dma_start3A_220 = tpu.memref_squeeze %dma_start3A_219 : memref<1x16384xf32, #tpu.memory_space<vmem_shared>> -> memref<16384xf32, #tpu.memory_space<vmem_shared>>
        %dma_start3A_221 = arith.constant 0 : i32
        %dma_start3A_222 = tpu.memref_slice %arg15[%arg1, %dma_start3A_221] : memref<16x16384xf32, #tpu.memory_space<vmem_shared>> -> memref<1x16384xf32, #tpu.memory_space<vmem_shared>>
        %dma_start3A_223 = tpu.memref_squeeze %dma_start3A_222 : memref<1x16384xf32, #tpu.memory_space<vmem_shared>> -> memref<16384xf32, #tpu.memory_space<vmem_shared>>
        tpu.enqueue_dma source(%arg13 : memref<16384xf32, #tpu.memory_space<vmem>>) target(%dma_start3A_223 : memref<16384xf32, #tpu.memory_space<vmem_shared>>) target_semaphore(%run_scoped3A : memref<!tpu.dma_semaphore, #tpu.memory_space<semaphore_mem>>)
        %dma_wait3A_224 = arith.constant 0 : i32
        %dma_wait3A_225 = tpu.memref_slice %arg15[%arg1, %dma_wait3A_224] : memref<16x16384xf32, #tpu.memory_space<vmem_shared>> -> memref<1x16384xf32, #tpu.memory_space<vmem_shared>>
        %dma_wait3A_226 = tpu.memref_squeeze %dma_wait3A_225 : memref<1x16384xf32, #tpu.memory_space<vmem_shared>> -> memref<16384xf32, #tpu.memory_space<vmem_shared>>
        %dma_wait3A_227 = arith.constant 0 : i32
        %dma_wait3A_228 = tpu.memref_slice %arg15[%arg1, %dma_wait3A_227] : memref<16x16384xf32, #tpu.memory_space<vmem_shared>> -> memref<1x16384xf32, #tpu.memory_space<vmem_shared>>
        %dma_wait3A_229 = tpu.memref_squeeze %dma_wait3A_228 : memref<1x16384xf32, #tpu.memory_space<vmem_shared>> -> memref<16384xf32, #tpu.memory_space<vmem_shared>>
        tpu.wait_dma2 semaphore(%run_scoped3A : memref<!tpu.dma_semaphore, #tpu.memory_space<semaphore_mem>>) src(%arg13 : memref<16384xf32, #tpu.memory_space<vmem>>) dst(%dma_wait3A_229 : memref<16384xf32, #tpu.memory_space<vmem_shared>>)
        tpu.yield
      }) : () -> ()
      %mul3A_82 = arith.constant 4 : i32
      %mul3A_83 = arith.muli %add3A_70, %mul3A_82 : i32
      %add3A_84 = arith.addi %mul3A_2, %mul3A_83 : i32
      %add3A_85 = arith.constant 0 : i32
      %add3A_86 = arith.addi %add3A_84, %add3A_85 : i32
      %dma_start3A_87 = arith.constant 0 : i32
      %dma_start3A_88 = tpu.memref_slice %arg7[%add3A_86, %dma_start3A_87] : memref<4096x4096xf32, #tpu.memory_space<hbm>> -> memref<1x4096xf32, #tpu.memory_space<hbm>>
      %dma_start3A_89 = tpu.memref_squeeze %dma_start3A_88 : memref<1x4096xf32, #tpu.memory_space<hbm>> -> memref<4096xf32, #tpu.memory_space<hbm>>
      %dma_start3A_90 = arith.constant 0 : i32
      %dma_start3A_91 = tpu.memref_slice %arg15[%arg1, %dma_start3A_90] : memref<16x16384xf32, #tpu.memory_space<vmem_shared>> -> memref<1x16384xf32, #tpu.memory_space<vmem_shared>>
      %dma_start3A_92 = tpu.memref_squeeze %dma_start3A_91 : memref<1x16384xf32, #tpu.memory_space<vmem_shared>> -> memref<16384xf32, #tpu.memory_space<vmem_shared>>
      %dma_start3A_93 = arith.constant 0 : i32
      %dma_start3A_94 = tpu.memref_slice %dma_start3A_92[%dma_start3A_93] : memref<16384xf32, #tpu.memory_space<vmem_shared>> -> memref<4096xf32, #tpu.memory_space<vmem_shared>>
      tpu.enqueue_dma source(%dma_start3A_94 : memref<4096xf32, #tpu.memory_space<vmem_shared>>) target(%dma_start3A_89 : memref<4096xf32, #tpu.memory_space<hbm>>) target_semaphore(%arg18 : memref<!tpu.dma_semaphore, #tpu.memory_space<semaphore_mem>>)
      %mul3A_95 = arith.constant 4 : i32
      %mul3A_96 = arith.muli %add3A_70, %mul3A_95 : i32
      %add3A_97 = arith.addi %mul3A_2, %mul3A_96 : i32
      %add3A_98 = arith.constant 1 : i32
      %add3A_99 = arith.addi %add3A_97, %add3A_98 : i32
      %dma_start3A_100 = arith.constant 0 : i32
      %dma_start3A_101 = tpu.memref_slice %arg7[%add3A_99, %dma_start3A_100] : memref<4096x4096xf32, #tpu.memory_space<hbm>> -> memref<1x4096xf32, #tpu.memory_space<hbm>>
      %dma_start3A_102 = tpu.memref_squeeze %dma_start3A_101 : memref<1x4096xf32, #tpu.memory_space<hbm>> -> memref<4096xf32, #tpu.memory_space<hbm>>
      %dma_start3A_103 = arith.constant 0 : i32
      %dma_start3A_104 = tpu.memref_slice %arg15[%arg1, %dma_start3A_103] : memref<16x16384xf32, #tpu.memory_space<vmem_shared>> -> memref<1x16384xf32, #tpu.memory_space<vmem_shared>>
      %dma_start3A_105 = tpu.memref_squeeze %dma_start3A_104 : memref<1x16384xf32, #tpu.memory_space<vmem_shared>> -> memref<16384xf32, #tpu.memory_space<vmem_shared>>
      %dma_start3A_106 = arith.constant 4096 : i32
      %dma_start3A_107 = tpu.memref_slice %dma_start3A_105[%dma_start3A_106] : memref<16384xf32, #tpu.memory_space<vmem_shared>> -> memref<4096xf32, #tpu.memory_space<vmem_shared>>
      tpu.enqueue_dma source(%dma_start3A_107 : memref<4096xf32, #tpu.memory_space<vmem_shared>>) target(%dma_start3A_102 : memref<4096xf32, #tpu.memory_space<hbm>>) target_semaphore(%arg18 : memref<!tpu.dma_semaphore, #tpu.memory_space<semaphore_mem>>)
      %mul3A_108 = arith.constant 4 : i32
      %mul3A_109 = arith.muli %add3A_70, %mul3A_108 : i32
      %add3A_110 = arith.addi %mul3A_2, %mul3A_109 : i32
      %add3A_111 = arith.constant 2 : i32
      %add3A_112 = arith.addi %add3A_110, %add3A_111 : i32
      %dma_start3A_113 = arith.constant 0 : i32
      %dma_start3A_114 = tpu.memref_slice %arg7[%add3A_112, %dma_start3A_113] : memref<4096x4096xf32, #tpu.memory_space<hbm>> -> memref<1x4096xf32, #tpu.memory_space<hbm>>
      %dma_start3A_115 = tpu.memref_squeeze %dma_start3A_114 : memref<1x4096xf32, #tpu.memory_space<hbm>> -> memref<4096xf32, #tpu.memory_space<hbm>>
      %dma_start3A_116 = arith.constant 0 : i32
      %dma_start3A_117 = tpu.memref_slice %arg15[%arg1, %dma_start3A_116] : memref<16x16384xf32, #tpu.memory_space<vmem_shared>> -> memref<1x16384xf32, #tpu.memory_space<vmem_shared>>
      %dma_start3A_118 = tpu.memref_squeeze %dma_start3A_117 : memref<1x16384xf32, #tpu.memory_space<vmem_shared>> -> memref<16384xf32, #tpu.memory_space<vmem_shared>>
      %dma_start3A_119 = arith.constant 8192 : i32
      %dma_start3A_120 = tpu.memref_slice %dma_start3A_118[%dma_start3A_119] : memref<16384xf32, #tpu.memory_space<vmem_shared>> -> memref<4096xf32, #tpu.memory_space<vmem_shared>>
      tpu.enqueue_dma source(%dma_start3A_120 : memref<4096xf32, #tpu.memory_space<vmem_shared>>) target(%dma_start3A_115 : memref<4096xf32, #tpu.memory_space<hbm>>) target_semaphore(%arg18 : memref<!tpu.dma_semaphore, #tpu.memory_space<semaphore_mem>>)
      %mul3A_121 = arith.constant 4 : i32
      %mul3A_122 = arith.muli %add3A_70, %mul3A_121 : i32
      %add3A_123 = arith.addi %mul3A_2, %mul3A_122 : i32
      %add3A_124 = arith.constant 3 : i32
      %add3A_125 = arith.addi %add3A_123, %add3A_124 : i32
      %dma_start3A_126 = arith.constant 0 : i32
      %dma_start3A_127 = tpu.memref_slice %arg7[%add3A_125, %dma_start3A_126] : memref<4096x4096xf32, #tpu.memory_space<hbm>> -> memref<1x4096xf32, #tpu.memory_space<hbm>>
      %dma_start3A_128 = tpu.memref_squeeze %dma_start3A_127 : memref<1x4096xf32, #tpu.memory_space<hbm>> -> memref<4096xf32, #tpu.memory_space<hbm>>
      %dma_start3A_129 = arith.constant 0 : i32
      %dma_start3A_130 = tpu.memref_slice %arg15[%arg1, %dma_start3A_129] : memref<16x16384xf32, #tpu.memory_space<vmem_shared>> -> memref<1x16384xf32, #tpu.memory_space<vmem_shared>>
      %dma_start3A_131 = tpu.memref_squeeze %dma_start3A_130 : memref<1x16384xf32, #tpu.memory_space<vmem_shared>> -> memref<16384xf32, #tpu.memory_space<vmem_shared>>
      %dma_start3A_132 = arith.constant 12288 : i32
      %dma_start3A_133 = tpu.memref_slice %dma_start3A_131[%dma_start3A_132] : memref<16384xf32, #tpu.memory_space<vmem_shared>> -> memref<4096xf32, #tpu.memory_space<vmem_shared>>
      tpu.enqueue_dma source(%dma_start3A_133 : memref<4096xf32, #tpu.memory_space<vmem_shared>>) target(%dma_start3A_128 : memref<4096xf32, #tpu.memory_space<hbm>>) target_semaphore(%arg18 : memref<!tpu.dma_semaphore, #tpu.memory_space<semaphore_mem>>)
      %add3A_134 = arith.constant 2 : i32
      %add3A_135 = arith.addi %add3A_70, %add3A_134 : i32
      %lt3A = arith.constant 32 : i32
      %lt3A_136 = arith.cmpi slt, %add3A_135, %lt3A : i32
      %convert_element_type3A_137 = arith.extui %lt3A_136 : i1 to i32
      %cond3A_138 = arith.constant 0 : i32
      %cond3A_139 = arith.cmpi ne, %convert_element_type3A_137, %cond3A_138 : i32
      scf.if %cond3A_139 {
        %add3A_218 = arith.constant 2 : i32
        %add3A_219 = arith.addi %add3A_70, %add3A_218 : i32
        %dma_start3A_220 = arith.constant 0 : i32
        %dma_start3A_221 = tpu.memref_slice %arg9[%add3A_219, %dma_start3A_220] : memref<32x4xi32, #tpu.memory_space<vmem>> -> memref<1x4xi32, #tpu.memory_space<vmem>>
        %dma_start3A_222 = tpu.memref_squeeze %dma_start3A_221 : memref<1x4xi32, #tpu.memory_space<vmem>> -> memref<4xi32, #tpu.memory_space<vmem>>
        %dma_start3A_223 = arith.constant 0 : i32
        %dma_start3A_224 = arith.constant 0 : i32
        %dma_start3A_225 = tpu.memref_slice %arg5[%dma_start3A_223, %dma_start3A_224] : memref<8192x8192xf32, #tpu.memory_space<hbm>> -> memref<8192x8192xf32, #tpu.memory_space<hbm>>
        tpu.enqueue_indirect_dma source(%dma_start3A_225 : memref<8192x8192xf32, #tpu.memory_space<hbm>>) target(%arg11 : memref<4x8192xf32, #tpu.memory_space<vmem>>) offsets(%dma_start3A_222 : memref<4xi32, #tpu.memory_space<vmem>>) semaphore(%arg16 : memref<!tpu.dma_semaphore, #tpu.memory_space<semaphore_mem>>)
      } else {
      }
      %mul3A_140 = arith.constant 2 : i32
      %mul3A_141 = arith.muli %mul3A_140, %scan3A_66 : i32
      %add3A_142 = arith.constant 1 : i32
      %add3A_143 = arith.addi %mul3A_141, %add3A_142 : i32
      %dma_wait3A_144 = arith.constant 0 : i32
      %dma_wait3A_145 = arith.constant 0 : i32
      %dma_wait3A_146 = tpu.memref_slice %arg9[%dma_wait3A_144, %dma_wait3A_145] : memref<32x4xi32, #tpu.memory_space<vmem>> -> memref<1x4xi32, #tpu.memory_space<vmem>>
      %dma_wait3A_147 = tpu.memref_squeeze %dma_wait3A_146 : memref<1x4xi32, #tpu.memory_space<vmem>> -> memref<4xi32, #tpu.memory_space<vmem>>
      %dma_wait3A_148 = arith.constant 0 : i32
      %dma_wait3A_149 = arith.constant 0 : i32
      %dma_wait3A_150 = tpu.memref_slice %arg5[%dma_wait3A_148, %dma_wait3A_149] : memref<8192x8192xf32, #tpu.memory_space<hbm>> -> memref<8192x8192xf32, #tpu.memory_space<hbm>>
      tpu.wait_indirect_dma semaphore(%arg17 : memref<!tpu.dma_semaphore, #tpu.memory_space<semaphore_mem>>) src(%dma_wait3A_150 : memref<8192x8192xf32, #tpu.memory_space<hbm>>) dst(%arg12 : memref<4x8192xf32, #tpu.memory_space<vmem>>)
      %parallel_loop3A_151 = arith.constant 0 : i32
      %parallel_loop3A_152 = arith.constant 256 : i32
      %parallel_loop3A_153 = arith.constant 1 : i32
      scf.for %parallel_loop3A_218 = %parallel_loop3A_151 to %parallel_loop3A_152 step %parallel_loop3A_153  : i32 {
        %parallel_loop3A_219 = arith.constant 16 : i32
        %parallel_loop3A_220 = arith.muli %parallel_loop3A_218, %parallel_loop3A_219 : i32
        %parallel_loop3A_221 = arith.index_cast %parallel_loop3A_220 : i32 to index
        %parallel_loop3A_222 = tpu.vector_load %arg8[%parallel_loop3A_221] {strides = array<i32>} : memref<4096xi32, #tpu.memory_space<vmem>>, vector<16xi32>,
        %parallel_loop3A_223 = arith.constant 0 : i32
        %parallel_loop3A_224 = vector.broadcast %parallel_loop3A_223 : i32 to vector<16xi32>
        %parallel_loop3A_225 = tpu.vector_load_idx %arg12[%parallel_loop3A_224, %parallel_loop3A_222] : memref<4x8192xf32, #tpu.memory_space<vmem>>[vector<16xi32>, vector<16xi32>], vector<16xf32>,
        %parallel_loop3A_226 = arith.constant 16 : i32
        %parallel_loop3A_227 = arith.muli %parallel_loop3A_218, %parallel_loop3A_226 : i32
        %parallel_loop3A_228 = arith.constant 0 : i32
        %parallel_loop3A_229 = arith.addi %parallel_loop3A_228, %parallel_loop3A_227 : i32
        %parallel_loop3A_230 = arith.index_cast %parallel_loop3A_229 : i32 to index
        %parallel_loop3A_231 = tpu.vector_load %arg14[%parallel_loop3A_230] {strides = array<i32>} : memref<16384xf32, #tpu.memory_space<vmem>>, vector<16xf32>,
        tpu.vector_store %arg14[%parallel_loop3A_230], %parallel_loop3A_225 {strides = array<i32>} : memref<16384xf32, #tpu.memory_space<vmem>>, vector<16xf32>,
        %parallel_loop3A_232 = arith.constant 1 : i32
        %parallel_loop3A_233 = vector.broadcast %parallel_loop3A_232 : i32 to vector<16xi32>
        %parallel_loop3A_234 = tpu.vector_load_idx %arg12[%parallel_loop3A_233, %parallel_loop3A_222] : memref<4x8192xf32, #tpu.memory_space<vmem>>[vector<16xi32>, vector<16xi32>], vector<16xf32>,
        %parallel_loop3A_235 = arith.constant 16 : i32
        %parallel_loop3A_236 = arith.muli %parallel_loop3A_218, %parallel_loop3A_235 : i32
        %parallel_loop3A_237 = arith.constant 4096 : i32
        %parallel_loop3A_238 = arith.addi %parallel_loop3A_237, %parallel_loop3A_236 : i32
        %parallel_loop3A_239 = arith.index_cast %parallel_loop3A_238 : i32 to index
        %parallel_loop3A_240 = tpu.vector_load %arg14[%parallel_loop3A_239] {strides = array<i32>} : memref<16384xf32, #tpu.memory_space<vmem>>, vector<16xf32>,
        tpu.vector_store %arg14[%parallel_loop3A_239], %parallel_loop3A_234 {strides = array<i32>} : memref<16384xf32, #tpu.memory_space<vmem>>, vector<16xf32>,
        %parallel_loop3A_241 = arith.constant 2 : i32
        %parallel_loop3A_242 = vector.broadcast %parallel_loop3A_241 : i32 to vector<16xi32>
        %parallel_loop3A_243 = tpu.vector_load_idx %arg12[%parallel_loop3A_242, %parallel_loop3A_222] : memref<4x8192xf32, #tpu.memory_space<vmem>>[vector<16xi32>, vector<16xi32>], vector<16xf32>,
        %parallel_loop3A_244 = arith.constant 16 : i32
        %parallel_loop3A_245 = arith.muli %parallel_loop3A_218, %parallel_loop3A_244 : i32
        %parallel_loop3A_246 = arith.constant 8192 : i32
        %parallel_loop3A_247 = arith.addi %parallel_loop3A_246, %parallel_loop3A_245 : i32
        %parallel_loop3A_248 = arith.index_cast %parallel_loop3A_247 : i32 to index
        %parallel_loop3A_249 = tpu.vector_load %arg14[%parallel_loop3A_248] {strides = array<i32>} : memref<16384xf32, #tpu.memory_space<vmem>>, vector<16xf32>,
        tpu.vector_store %arg14[%parallel_loop3A_248], %parallel_loop3A_243 {strides = array<i32>} : memref<16384xf32, #tpu.memory_space<vmem>>, vector<16xf32>,
        %parallel_loop3A_250 = arith.constant 3 : i32
        %parallel_loop3A_251 = vector.broadcast %parallel_loop3A_250 : i32 to vector<16xi32>
        %parallel_loop3A_252 = tpu.vector_load_idx %arg12[%parallel_loop3A_251, %parallel_loop3A_222] : memref<4x8192xf32, #tpu.memory_space<vmem>>[vector<16xi32>, vector<16xi32>], vector<16xf32>,
        %parallel_loop3A_253 = arith.constant 16 : i32
        %parallel_loop3A_254 = arith.muli %parallel_loop3A_218, %parallel_loop3A_253 : i32
        %parallel_loop3A_255 = arith.constant 12288 : i32
        %parallel_loop3A_256 = arith.addi %parallel_loop3A_255, %parallel_loop3A_254 : i32
        %parallel_loop3A_257 = arith.index_cast %parallel_loop3A_256 : i32 to index
        %parallel_loop3A_258 = tpu.vector_load %arg14[%parallel_loop3A_257] {strides = array<i32>} : memref<16384xf32, #tpu.memory_space<vmem>>, vector<16xf32>,
        tpu.vector_store %arg14[%parallel_loop3A_257], %parallel_loop3A_252 {strides = array<i32>} : memref<16384xf32, #tpu.memory_space<vmem>>, vector<16xf32>,
      } {sc.loop_unroll_factor = 8 : i64, sc.parallel_access}
      %gt3A_154 = arith.constant 0 : i32
      %gt3A_155 = arith.cmpi sgt, %add3A_143, %gt3A_154 : i32
      %convert_element_type3A_156 = arith.extui %gt3A_155 : i1 to i32
      %cond3A_157 = arith.constant 0 : i32
      %cond3A_158 = arith.cmpi ne, %convert_element_type3A_156, %cond3A_157 : i32
      scf.if %cond3A_158 {
        %add3A_218 = arith.constant 0 : i32
        %add3A_219 = arith.addi %mul3A_2, %add3A_218 : i32
        %dma_wait3A_220 = arith.constant 0 : i32
        %dma_wait3A_221 = tpu.memref_slice %arg7[%add3A_219, %dma_wait3A_220] : memref<4096x4096xf32, #tpu.memory_space<hbm>> -> memref<1x4096xf32, #tpu.memory_space<hbm>>
        %dma_wait3A_222 = tpu.memref_squeeze %dma_wait3A_221 : memref<1x4096xf32, #tpu.memory_space<hbm>> -> memref<4096xf32, #tpu.memory_space<hbm>>
        %dma_wait3A_223 = arith.constant 0 : i32
        %dma_wait3A_224 = tpu.memref_slice %arg15[%arg1, %dma_wait3A_223] : memref<16x16384xf32, #tpu.memory_space<vmem_shared>> -> memref<1x16384xf32, #tpu.memory_space<vmem_shared>>
        %dma_wait3A_225 = tpu.memref_squeeze %dma_wait3A_224 : memref<1x16384xf32, #tpu.memory_space<vmem_shared>> -> memref<16384xf32, #tpu.memory_space<vmem_shared>>
        %dma_wait3A_226 = arith.constant 0 : i32
        %dma_wait3A_227 = tpu.memref_slice %dma_wait3A_225[%dma_wait3A_226] : memref<16384xf32, #tpu.memory_space<vmem_shared>> -> memref<4096xf32, #tpu.memory_space<vmem_shared>>
        tpu.wait_dma2 semaphore(%arg18 : memref<!tpu.dma_semaphore, #tpu.memory_space<semaphore_mem>>) src(%dma_wait3A_227 : memref<4096xf32, #tpu.memory_space<vmem_shared>>) dst(%dma_wait3A_222 : memref<4096xf32, #tpu.memory_space<hbm>>)
        %add3A_228 = arith.constant 1 : i32
        %add3A_229 = arith.addi %mul3A_2, %add3A_228 : i32
        %dma_wait3A_230 = arith.constant 0 : i32
        %dma_wait3A_231 = tpu.memref_slice %arg7[%add3A_229, %dma_wait3A_230] : memref<4096x4096xf32, #tpu.memory_space<hbm>> -> memref<1x4096xf32, #tpu.memory_space<hbm>>
        %dma_wait3A_232 = tpu.memref_squeeze %dma_wait3A_231 : memref<1x4096xf32, #tpu.memory_space<hbm>> -> memref<4096xf32, #tpu.memory_space<hbm>>
        %dma_wait3A_233 = arith.constant 0 : i32
        %dma_wait3A_234 = tpu.memref_slice %arg15[%arg1, %dma_wait3A_233] : memref<16x16384xf32, #tpu.memory_space<vmem_shared>> -> memref<1x16384xf32, #tpu.memory_space<vmem_shared>>
        %dma_wait3A_235 = tpu.memref_squeeze %dma_wait3A_234 : memref<1x16384xf32, #tpu.memory_space<vmem_shared>> -> memref<16384xf32, #tpu.memory_space<vmem_shared>>
        %dma_wait3A_236 = arith.constant 4096 : i32
        %dma_wait3A_237 = tpu.memref_slice %dma_wait3A_235[%dma_wait3A_236] : memref<16384xf32, #tpu.memory_space<vmem_shared>> -> memref<4096xf32, #tpu.memory_space<vmem_shared>>
        tpu.wait_dma2 semaphore(%arg18 : memref<!tpu.dma_semaphore, #tpu.memory_space<semaphore_mem>>) src(%dma_wait3A_237 : memref<4096xf32, #tpu.memory_space<vmem_shared>>) dst(%dma_wait3A_232 : memref<4096xf32, #tpu.memory_space<hbm>>)
        %add3A_238 = arith.constant 2 : i32
        %add3A_239 = arith.addi %mul3A_2, %add3A_238 : i32
        %dma_wait3A_240 = arith.constant 0 : i32
        %dma_wait3A_241 = tpu.memref_slice %arg7[%add3A_239, %dma_wait3A_240] : memref<4096x4096xf32, #tpu.memory_space<hbm>> -> memref<1x4096xf32, #tpu.memory_space<hbm>>
        %dma_wait3A_242 = tpu.memref_squeeze %dma_wait3A_241 : memref<1x4096xf32, #tpu.memory_space<hbm>> -> memref<4096xf32, #tpu.memory_space<hbm>>
        %dma_wait3A_243 = arith.constant 0 : i32
        %dma_wait3A_244 = tpu.memref_slice %arg15[%arg1, %dma_wait3A_243] : memref<16x16384xf32, #tpu.memory_space<vmem_shared>> -> memref<1x16384xf32, #tpu.memory_space<vmem_shared>>
        %dma_wait3A_245 = tpu.memref_squeeze %dma_wait3A_244 : memref<1x16384xf32, #tpu.memory_space<vmem_shared>> -> memref<16384xf32, #tpu.memory_space<vmem_shared>>
        %dma_wait3A_246 = arith.constant 8192 : i32
        %dma_wait3A_247 = tpu.memref_slice %dma_wait3A_245[%dma_wait3A_246] : memref<16384xf32, #tpu.memory_space<vmem_shared>> -> memref<4096xf32, #tpu.memory_space<vmem_shared>>
        tpu.wait_dma2 semaphore(%arg18 : memref<!tpu.dma_semaphore, #tpu.memory_space<semaphore_mem>>) src(%dma_wait3A_247 : memref<4096xf32, #tpu.memory_space<vmem_shared>>) dst(%dma_wait3A_242 : memref<4096xf32, #tpu.memory_space<hbm>>)
        %add3A_248 = arith.constant 3 : i32
        %add3A_249 = arith.addi %mul3A_2, %add3A_248 : i32
        %dma_wait3A_250 = arith.constant 0 : i32
        %dma_wait3A_251 = tpu.memref_slice %arg7[%add3A_249, %dma_wait3A_250] : memref<4096x4096xf32, #tpu.memory_space<hbm>> -> memref<1x4096xf32, #tpu.memory_space<hbm>>
        %dma_wait3A_252 = tpu.memref_squeeze %dma_wait3A_251 : memref<1x4096xf32, #tpu.memory_space<hbm>> -> memref<4096xf32, #tpu.memory_space<hbm>>
        %dma_wait3A_253 = arith.constant 0 : i32
        %dma_wait3A_254 = tpu.memref_slice %arg15[%arg1, %dma_wait3A_253] : memref<16x16384xf32, #tpu.memory_space<vmem_shared>> -> memref<1x16384xf32, #tpu.memory_space<vmem_shared>>
        %dma_wait3A_255 = tpu.memref_squeeze %dma_wait3A_254 : memref<1x16384xf32, #tpu.memory_space<vmem_shared>> -> memref<16384xf32, #tpu.memory_space<vmem_shared>>
        %dma_wait3A_256 = arith.constant 12288 : i32
        %dma_wait3A_257 = tpu.memref_slice %dma_wait3A_255[%dma_wait3A_256] : memref<16384xf32, #tpu.memory_space<vmem_shared>> -> memref<4096xf32, #tpu.memory_space<vmem_shared>>
        tpu.wait_dma2 semaphore(%arg18 : memref<!tpu.dma_semaphore, #tpu.memory_space<semaphore_mem>>) src(%dma_wait3A_257 : memref<4096xf32, #tpu.memory_space<vmem_shared>>) dst(%dma_wait3A_252 : memref<4096xf32, #tpu.memory_space<hbm>>)
      } else {
      }
      "tpu.region"() ({
        %run_scoped3A = tpu.sem_alloc : memref<!tpu.dma_semaphore, #tpu.memory_space<semaphore_mem>>
        %dma_start3A_218 = arith.constant 0 : i32
        %dma_start3A_219 = tpu.memref_slice %arg15[%arg1, %dma_start3A_218] : memref<16x16384xf32, #tpu.memory_space<vmem_shared>> -> memref<1x16384xf32, #tpu.memory_space<vmem_shared>>
        %dma_start3A_220 = tpu.memref_squeeze %dma_start3A_219 : memref<1x16384xf32, #tpu.memory_space<vmem_shared>> -> memref<16384xf32, #tpu.memory_space<vmem_shared>>
        %dma_start3A_221 = arith.constant 0 : i32
        %dma_start3A_222 = tpu.memref_slice %arg15[%arg1, %dma_start3A_221] : memref<16x16384xf32, #tpu.memory_space<vmem_shared>> -> memref<1x16384xf32, #tpu.memory_space<vmem_shared>>
        %dma_start3A_223 = tpu.memref_squeeze %dma_start3A_222 : memref<1x16384xf32, #tpu.memory_space<vmem_shared>> -> memref<16384xf32, #tpu.memory_space<vmem_shared>>
        tpu.enqueue_dma source(%arg14 : memref<16384xf32, #tpu.memory_space<vmem>>) target(%dma_start3A_223 : memref<16384xf32, #tpu.memory_space<vmem_shared>>) target_semaphore(%run_scoped3A : memref<!tpu.dma_semaphore, #tpu.memory_space<semaphore_mem>>)
        %dma_wait3A_224 = arith.constant 0 : i32
        %dma_wait3A_225 = tpu.memref_slice %arg15[%arg1, %dma_wait3A_224] : memref<16x16384xf32, #tpu.memory_space<vmem_shared>> -> memref<1x16384xf32, #tpu.memory_space<vmem_shared>>
        %dma_wait3A_226 = tpu.memref_squeeze %dma_wait3A_225 : memref<1x16384xf32, #tpu.memory_space<vmem_shared>> -> memref<16384xf32, #tpu.memory_space<vmem_shared>>
        %dma_wait3A_227 = arith.constant 0 : i32
        %dma_wait3A_228 = tpu.memref_slice %arg15[%arg1, %dma_wait3A_227] : memref<16x16384xf32, #tpu.memory_space<vmem_shared>> -> memref<1x16384xf32, #tpu.memory_space<vmem_shared>>
        %dma_wait3A_229 = tpu.memref_squeeze %dma_wait3A_228 : memref<1x16384xf32, #tpu.memory_space<vmem_shared>> -> memref<16384xf32, #tpu.memory_space<vmem_shared>>
        tpu.wait_dma2 semaphore(%run_scoped3A : memref<!tpu.dma_semaphore, #tpu.memory_space<semaphore_mem>>) src(%arg14 : memref<16384xf32, #tpu.memory_space<vmem>>) dst(%dma_wait3A_229 : memref<16384xf32, #tpu.memory_space<vmem_shared>>)
        tpu.yield
      }) : () -> ()
      %mul3A_159 = arith.constant 4 : i32
      %mul3A_160 = arith.muli %add3A_143, %mul3A_159 : i32
      %add3A_161 = arith.addi %mul3A_2, %mul3A_160 : i32
      %add3A_162 = arith.constant 0 : i32
      %add3A_163 = arith.addi %add3A_161, %add3A_162 : i32
      %dma_start3A_164 = arith.constant 0 : i32
      %dma_start3A_165 = tpu.memref_slice %arg7[%add3A_163, %dma_start3A_164] : memref<4096x4096xf32, #tpu.memory_space<hbm>> -> memref<1x4096xf32, #tpu.memory_space<hbm>>
      %dma_start3A_166 = tpu.memref_squeeze %dma_start3A_165 : memref<1x4096xf32, #tpu.memory_space<hbm>> -> memref<4096xf32, #tpu.memory_space<hbm>>
      %dma_start3A_167 = arith.constant 0 : i32
      %dma_start3A_168 = tpu.memref_slice %arg15[%arg1, %dma_start3A_167] : memref<16x16384xf32, #tpu.memory_space<vmem_shared>> -> memref<1x16384xf32, #tpu.memory_space<vmem_shared>>
      %dma_start3A_169 = tpu.memref_squeeze %dma_start3A_168 : memref<1x16384xf32, #tpu.memory_space<vmem_shared>> -> memref<16384xf32, #tpu.memory_space<vmem_shared>>
      %dma_start3A_170 = arith.constant 0 : i32
      %dma_start3A_171 = tpu.memref_slice %dma_start3A_169[%dma_start3A_170] : memref<16384xf32, #tpu.memory_space<vmem_shared>> -> memref<4096xf32, #tpu.memory_space<vmem_shared>>
      tpu.enqueue_dma source(%dma_start3A_171 : memref<4096xf32, #tpu.memory_space<vmem_shared>>) target(%dma_start3A_166 : memref<4096xf32, #tpu.memory_space<hbm>>) target_semaphore(%arg18 : memref<!tpu.dma_semaphore, #tpu.memory_space<semaphore_mem>>)
      %mul3A_172 = arith.constant 4 : i32
      %mul3A_173 = arith.muli %add3A_143, %mul3A_172 : i32
      %add3A_174 = arith.addi %mul3A_2, %mul3A_173 : i32
      %add3A_175 = arith.constant 1 : i32
      %add3A_176 = arith.addi %add3A_174, %add3A_175 : i32
      %dma_start3A_177 = arith.constant 0 : i32
      %dma_start3A_178 = tpu.memref_slice %arg7[%add3A_176, %dma_start3A_177] : memref<4096x4096xf32, #tpu.memory_space<hbm>> -> memref<1x4096xf32, #tpu.memory_space<hbm>>
      %dma_start3A_179 = tpu.memref_squeeze %dma_start3A_178 : memref<1x4096xf32, #tpu.memory_space<hbm>> -> memref<4096xf32, #tpu.memory_space<hbm>>
      %dma_start3A_180 = arith.constant 0 : i32
      %dma_start3A_181 = tpu.memref_slice %arg15[%arg1, %dma_start3A_180] : memref<16x16384xf32, #tpu.memory_space<vmem_shared>> -> memref<1x16384xf32, #tpu.memory_space<vmem_shared>>
      %dma_start3A_182 = tpu.memref_squeeze %dma_start3A_181 : memref<1x16384xf32, #tpu.memory_space<vmem_shared>> -> memref<16384xf32, #tpu.memory_space<vmem_shared>>
      %dma_start3A_183 = arith.constant 4096 : i32
      %dma_start3A_184 = tpu.memref_slice %dma_start3A_182[%dma_start3A_183] : memref<16384xf32, #tpu.memory_space<vmem_shared>> -> memref<4096xf32, #tpu.memory_space<vmem_shared>>
      tpu.enqueue_dma source(%dma_start3A_184 : memref<4096xf32, #tpu.memory_space<vmem_shared>>) target(%dma_start3A_179 : memref<4096xf32, #tpu.memory_space<hbm>>) target_semaphore(%arg18 : memref<!tpu.dma_semaphore, #tpu.memory_space<semaphore_mem>>)
      %mul3A_185 = arith.constant 4 : i32
      %mul3A_186 = arith.muli %add3A_143, %mul3A_185 : i32
      %add3A_187 = arith.addi %mul3A_2, %mul3A_186 : i32
      %add3A_188 = arith.constant 2 : i32
      %add3A_189 = arith.addi %add3A_187, %add3A_188 : i32
      %dma_start3A_190 = arith.constant 0 : i32
      %dma_start3A_191 = tpu.memref_slice %arg7[%add3A_189, %dma_start3A_190] : memref<4096x4096xf32, #tpu.memory_space<hbm>> -> memref<1x4096xf32, #tpu.memory_space<hbm>>
      %dma_start3A_192 = tpu.memref_squeeze %dma_start3A_191 : memref<1x4096xf32, #tpu.memory_space<hbm>> -> memref<4096xf32, #tpu.memory_space<hbm>>
      %dma_start3A_193 = arith.constant 0 : i32
      %dma_start3A_194 = tpu.memref_slice %arg15[%arg1, %dma_start3A_193] : memref<16x16384xf32, #tpu.memory_space<vmem_shared>> -> memref<1x16384xf32, #tpu.memory_space<vmem_shared>>
      %dma_start3A_195 = tpu.memref_squeeze %dma_start3A_194 : memref<1x16384xf32, #tpu.memory_space<vmem_shared>> -> memref<16384xf32, #tpu.memory_space<vmem_shared>>
      %dma_start3A_196 = arith.constant 8192 : i32
      %dma_start3A_197 = tpu.memref_slice %dma_start3A_195[%dma_start3A_196] : memref<16384xf32, #tpu.memory_space<vmem_shared>> -> memref<4096xf32, #tpu.memory_space<vmem_shared>>
      tpu.enqueue_dma source(%dma_start3A_197 : memref<4096xf32, #tpu.memory_space<vmem_shared>>) target(%dma_start3A_192 : memref<4096xf32, #tpu.memory_space<hbm>>) target_semaphore(%arg18 : memref<!tpu.dma_semaphore, #tpu.memory_space<semaphore_mem>>)
      %mul3A_198 = arith.constant 4 : i32
      %mul3A_199 = arith.muli %add3A_143, %mul3A_198 : i32
      %add3A_200 = arith.addi %mul3A_2, %mul3A_199 : i32
      %add3A_201 = arith.constant 3 : i32
      %add3A_202 = arith.addi %add3A_200, %add3A_201 : i32
      %dma_start3A_203 = arith.constant 0 : i32
      %dma_start3A_204 = tpu.memref_slice %arg7[%add3A_202, %dma_start3A_203] : memref<4096x4096xf32, #tpu.memory_space<hbm>> -> memref<1x4096xf32, #tpu.memory_space<hbm>>
      %dma_start3A_205 = tpu.memref_squeeze %dma_start3A_204 : memref<1x4096xf32, #tpu.memory_space<hbm>> -> memref<4096xf32, #tpu.memory_space<hbm>>
      %dma_start3A_206 = arith.constant 0 : i32
      %dma_start3A_207 = tpu.memref_slice %arg15[%arg1, %dma_start3A_206] : memref<16x16384xf32, #tpu.memory_space<vmem_shared>> -> memref<1x16384xf32, #tpu.memory_space<vmem_shared>>
      %dma_start3A_208 = tpu.memref_squeeze %dma_start3A_207 : memref<1x16384xf32, #tpu.memory_space<vmem_shared>> -> memref<16384xf32, #tpu.memory_space<vmem_shared>>
      %dma_start3A_209 = arith.constant 12288 : i32
      %dma_start3A_210 = tpu.memref_slice %dma_start3A_208[%dma_start3A_209] : memref<16384xf32, #tpu.memory_space<vmem_shared>> -> memref<4096xf32, #tpu.memory_space<vmem_shared>>
      tpu.enqueue_dma source(%dma_start3A_210 : memref<4096xf32, #tpu.memory_space<vmem_shared>>) target(%dma_start3A_205 : memref<4096xf32, #tpu.memory_space<hbm>>) target_semaphore(%arg18 : memref<!tpu.dma_semaphore, #tpu.memory_space<semaphore_mem>>)
      %add3A_211 = arith.constant 2 : i32
      %add3A_212 = arith.addi %add3A_143, %add3A_211 : i32
      %lt3A_213 = arith.constant 32 : i32
      %lt3A_214 = arith.cmpi slt, %add3A_212, %lt3A_213 : i32
      %convert_element_type3A_215 = arith.extui %lt3A_214 : i1 to i32
      %cond3A_216 = arith.constant 0 : i32
      %cond3A_217 = arith.cmpi ne, %convert_element_type3A_215, %cond3A_216 : i32
      scf.if %cond3A_217 {
        %add3A_218 = arith.constant 2 : i32
        %add3A_219 = arith.addi %add3A_143, %add3A_218 : i32
        %dma_start3A_220 = arith.constant 0 : i32
        %dma_start3A_221 = tpu.memref_slice %arg9[%add3A_219, %dma_start3A_220] : memref<32x4xi32, #tpu.memory_space<vmem>> -> memref<1x4xi32, #tpu.memory_space<vmem>>
        %dma_start3A_222 = tpu.memref_squeeze %dma_start3A_221 : memref<1x4xi32, #tpu.memory_space<vmem>> -> memref<4xi32, #tpu.memory_space<vmem>>
        %dma_start3A_223 = arith.constant 0 : i32
        %dma_start3A_224 = arith.constant 0 : i32
        %dma_start3A_225 = tpu.memref_slice %arg5[%dma_start3A_223, %dma_start3A_224] : memref<8192x8192xf32, #tpu.memory_space<hbm>> -> memref<8192x8192xf32, #tpu.memory_space<hbm>>
        tpu.enqueue_indirect_dma source(%dma_start3A_225 : memref<8192x8192xf32, #tpu.memory_space<hbm>>) target(%arg12 : memref<4x8192xf32, #tpu.memory_space<vmem>>) offsets(%dma_start3A_222 : memref<4xi32, #tpu.memory_space<vmem>>) semaphore(%arg17 : memref<!tpu.dma_semaphore, #tpu.memory_space<semaphore_mem>>)
      } else {
      }
    }
    %scan3A_26 = arith.constant 16 : i32
    %add3A_27 = arith.constant 0 : i32
    %add3A_28 = arith.addi %mul3A_2, %add3A_27 : i32
    %dma_wait3A = arith.constant 0 : i32
    %dma_wait3A_29 = tpu.memref_slice %arg7[%add3A_28, %dma_wait3A] : memref<4096x4096xf32, #tpu.memory_space<hbm>> -> memref<1x4096xf32, #tpu.memory_space<hbm>>
    %dma_wait3A_30 = tpu.memref_squeeze %dma_wait3A_29 : memref<1x4096xf32, #tpu.memory_space<hbm>> -> memref<4096xf32, #tpu.memory_space<hbm>>
    %dma_wait3A_31 = arith.constant 0 : i32
    %dma_wait3A_32 = tpu.memref_slice %arg15[%arg1, %dma_wait3A_31] : memref<16x16384xf32, #tpu.memory_space<vmem_shared>> -> memref<1x16384xf32, #tpu.memory_space<vmem_shared>>
    %dma_wait3A_33 = tpu.memref_squeeze %dma_wait3A_32 : memref<1x16384xf32, #tpu.memory_space<vmem_shared>> -> memref<16384xf32, #tpu.memory_space<vmem_shared>>
    %dma_wait3A_34 = arith.constant 0 : i32
    %dma_wait3A_35 = tpu.memref_slice %dma_wait3A_33[%dma_wait3A_34] : memref<16384xf32, #tpu.memory_space<vmem_shared>> -> memref<4096xf32, #tpu.memory_space<vmem_shared>>
    tpu.wait_dma2 semaphore(%arg18 : memref<!tpu.dma_semaphore, #tpu.memory_space<semaphore_mem>>) src(%dma_wait3A_35 : memref<4096xf32, #tpu.memory_space<vmem_shared>>) dst(%dma_wait3A_30 : memref<4096xf32, #tpu.memory_space<hbm>>)
    %add3A_36 = arith.constant 1 : i32
    %add3A_37 = arith.addi %mul3A_2, %add3A_36 : i32
    %dma_wait3A_38 = arith.constant 0 : i32
    %dma_wait3A_39 = tpu.memref_slice %arg7[%add3A_37, %dma_wait3A_38] : memref<4096x4096xf32, #tpu.memory_space<hbm>> -> memref<1x4096xf32, #tpu.memory_space<hbm>>
    %dma_wait3A_40 = tpu.memref_squeeze %dma_wait3A_39 : memref<1x4096xf32, #tpu.memory_space<hbm>> -> memref<4096xf32, #tpu.memory_space<hbm>>
    %dma_wait3A_41 = arith.constant 0 : i32
    %dma_wait3A_42 = tpu.memref_slice %arg15[%arg1, %dma_wait3A_41] : memref<16x16384xf32, #tpu.memory_space<vmem_shared>> -> memref<1x16384xf32, #tpu.memory_space<vmem_shared>>
    %dma_wait3A_43 = tpu.memref_squeeze %dma_wait3A_42 : memref<1x16384xf32, #tpu.memory_space<vmem_shared>> -> memref<16384xf32, #tpu.memory_space<vmem_shared>>
    %dma_wait3A_44 = arith.constant 4096 : i32
    %dma_wait3A_45 = tpu.memref_slice %dma_wait3A_43[%dma_wait3A_44] : memref<16384xf32, #tpu.memory_space<vmem_shared>> -> memref<4096xf32, #tpu.memory_space<vmem_shared>>
    tpu.wait_dma2 semaphore(%arg18 : memref<!tpu.dma_semaphore, #tpu.memory_space<semaphore_mem>>) src(%dma_wait3A_45 : memref<4096xf32, #tpu.memory_space<vmem_shared>>) dst(%dma_wait3A_40 : memref<4096xf32, #tpu.memory_space<hbm>>)
    %add3A_46 = arith.constant 2 : i32
    %add3A_47 = arith.addi %mul3A_2, %add3A_46 : i32
    %dma_wait3A_48 = arith.constant 0 : i32
    %dma_wait3A_49 = tpu.memref_slice %arg7[%add3A_47, %dma_wait3A_48] : memref<4096x4096xf32, #tpu.memory_space<hbm>> -> memref<1x4096xf32, #tpu.memory_space<hbm>>
    %dma_wait3A_50 = tpu.memref_squeeze %dma_wait3A_49 : memref<1x4096xf32, #tpu.memory_space<hbm>> -> memref<4096xf32, #tpu.memory_space<hbm>>
    %dma_wait3A_51 = arith.constant 0 : i32
    %dma_wait3A_52 = tpu.memref_slice %arg15[%arg1, %dma_wait3A_51] : memref<16x16384xf32, #tpu.memory_space<vmem_shared>> -> memref<1x16384xf32, #tpu.memory_space<vmem_shared>>
    %dma_wait3A_53 = tpu.memref_squeeze %dma_wait3A_52 : memref<1x16384xf32, #tpu.memory_space<vmem_shared>> -> memref<16384xf32, #tpu.memory_space<vmem_shared>>
    %dma_wait3A_54 = arith.constant 8192 : i32
    %dma_wait3A_55 = tpu.memref_slice %dma_wait3A_53[%dma_wait3A_54] : memref<16384xf32, #tpu.memory_space<vmem_shared>> -> memref<4096xf32, #tpu.memory_space<vmem_shared>>
    tpu.wait_dma2 semaphore(%arg18 : memref<!tpu.dma_semaphore, #tpu.memory_space<semaphore_mem>>) src(%dma_wait3A_55 : memref<4096xf32, #tpu.memory_space<vmem_shared>>) dst(%dma_wait3A_50 : memref<4096xf32, #tpu.memory_space<hbm>>)
    %add3A_56 = arith.constant 3 : i32
    %add3A_57 = arith.addi %mul3A_2, %add3A_56 : i32
    %dma_wait3A_58 = arith.constant 0 : i32
    %dma_wait3A_59 = tpu.memref_slice %arg7[%add3A_57, %dma_wait3A_58] : memref<4096x4096xf32, #tpu.memory_space<hbm>> -> memref<1x4096xf32, #tpu.memory_space<hbm>>
    %dma_wait3A_60 = tpu.memref_squeeze %dma_wait3A_59 : memref<1x4096xf32, #tpu.memory_space<hbm>> -> memref<4096xf32, #tpu.memory_space<hbm>>
    %dma_wait3A_61 = arith.constant 0 : i32
    %dma_wait3A_62 = tpu.memref_slice %arg15[%arg1, %dma_wait3A_61] : memref<16x16384xf32, #tpu.memory_space<vmem_shared>> -> memref<1x16384xf32, #tpu.memory_space<vmem_shared>>
    %dma_wait3A_63 = tpu.memref_squeeze %dma_wait3A_62 : memref<1x16384xf32, #tpu.memory_space<vmem_shared>> -> memref<16384xf32, #tpu.memory_space<vmem_shared>>
    %dma_wait3A_64 = arith.constant 12288 : i32
    %dma_wait3A_65 = tpu.memref_slice %dma_wait3A_63[%dma_wait3A_64] : memref<16384xf32, #tpu.memory_space<vmem_shared>> -> memref<4096xf32, #tpu.memory_space<vmem_shared>>
    tpu.wait_dma2 semaphore(%arg18 : memref<!tpu.dma_semaphore, #tpu.memory_space<semaphore_mem>>) src(%dma_wait3A_65 : memref<4096xf32, #tpu.memory_space<vmem_shared>>) dst(%dma_wait3A_60 : memref<4096xf32, #tpu.memory_space<hbm>>)
    return
  }
}

</mosaic_0001>

<sc_bundles>
// kernel: _run.3.cloned.1.call-start
scs
__scs_entry_jumppad:
0x0: {  	(pc) =	sbr.rel $0x88, $3  }
0x1: {  	(tag) =	ssettag $0x0;
	lr =	simm.s32 $0x1  }
0x2: {  	[smem:$0x3F9D] =	sst lr;
	_ =	strace $0xD0000000  }
0x3: {  	_ = 	snop  }
0x4: {  	_ = 	snop  }
0x5: {  	_ = 	snop  }
0x6: {  	_ = 	snop  }
0x7: {  	_ = 	snop  }
__scs_overlays_trampoline_lowered:
0x8: {  	[smem:$0x3FAC] =	sst s0  }
0x9: {  	[smem:$0x3FAD] =	sst s1  }
0xa: {  	[smem:$0x3FAE] =	sst s2  }
0xb: {  	[smem:$0x3FAF] =	sst s3  }
0xc: {  	[smem:$0x3FB0] =	sst s4  }
0xd: {  	[smem:$0x3FB1] =	sst s5  }
0xe: {  	[smem:$0x3FB2] =	sst s6  }
0xf: {  	[smem:$0x3FB3] =	sst s7  }
0x10: {  	[smem:$0x3FB4] =	sst s8  }
0x11: {  	[smem:$0x3FB5] =	sst s9;
	s0 =	simm.s32 @!p0 $0x0  }
0x12: {  	s1 =	sld [smem:$0x3F9B];
	s0 =	simm.s32 @p0 $0x1  }
0x13: {  	[smem:$0x3FB6] =	sst s0;
	s0 =	simm.s32 @!p1 $0x0  }
0x14: {  	s2 =	sld [smem:$0x3F9A];
	s0 =	simm.s32 @p1 $0x1  }
0x15: {  	[smem:$0x3FB7] =	sst s0;
	s0 =	simm.s32 @!p2 $0x0  }
0x16: {  	s3 =	sld [smem:$0x3FDB];
	s0 =	simm.s32 @p2 $0x1  }
0x17: {  	s4 =	simm.s32 $0x1BF5;
	[smem:$0x3FB9] =	sst s0  }
0x18: {  	s0 =	sld [smem:$0x3F9C];
	_ =	swait.ge [sflag:s4], $0x0  }
0x19: {  	s7 =	sld [smem:$0x3F9D]  }
0x1a: {  	s8 =	sadd.s32 $0xFFFFE003, lr  }
0x1b: {  	s9 =	sadd.s32 $0xFFFFFEF7, lr;
	s5 =	simm.s32 $0xFFFFFFFF;
	p2 =	slt.u32 s8, $0xFFFFF086  }
0x1c: {  	p1 =	slt.u32 s9, $0xF7A;
	s5 =	simm.s32 @!p2 $0x0  }
0x1d: {  	s5 =	simm.s32 @p1 $0x1;
	p0 =	seq.s32 s7, s2  }
0x1e: {  	s7 =	smul.u32 @!p0 $0xF7A, s2;
	p2 =	seq.s32 @!p0 s5, $0x0  }
0x1f: {  	s9 =	smul.u32 $0xF7A, s1;
	s8 =	simm.s32 @!p0 $0x1BF5;
	p2 =	por !p2, p0  }
0x20: {  	[sflag:s8] =	ssyncset.s32 @!p0 $0xFFFFF086;
	s6 =	sadd.s32 @!p0 s3, s7;
	s7 =	simm.s32 @!p0 $0x108  }
0x21: {  	s3 =	sadd.s32 s3, s9;
	s6 =	sadd.s32 @!p0 $0x88, s6;
	s7 =	simm.s32 @p2 $0x1082  }
0x22: {  	[simem:s7], [sflag:s8] =	dma.local @!p0 [hbm:s6], $0xF7A  }
0x23: {  	s9 =	sor.u32 $0xD0000000, s2;
	s6 =	simm.s32 $0x108;
	_ =	swait.ge @!p0 [sflag:s8], $0x0  }
0x24: {  	s3 =	sadd.s32 $0x88, s3;
	s6 =	simm.s32 @!p1 $0x1082;
	[sflag:s4] =	ssyncset.s32 $0xFFFFF086  }
0x25: {  	[simem:s6], [sflag:s4] =	dma.local [hbm:s3], $0xF7A  }
0x26: {  	[smem:$0x3F9D] =	sst s1;
	(tag) =	ssettag s2;
	_ =	strace s9  }
0x27: {  	s1 =	sld [smem:$0x3FAD]  }
0x28: {  	s2 =	sld [smem:$0x3FAE]  }
0x29: {  	s4 =	sld [smem:$0x3FB0]  }
0x2a: {  	p0 =	seq.s32 s5, $0x0;
	s5 =	sld [smem:$0x3FB1]  }
0x2b: {  	s6 =	sld [smem:$0x3FB2]  }
0x2c: {  	s7 =	sld [smem:$0x3FB3]  }
0x2d: {  	s3 =	simm.s32 $0x108;
	s8 =	sld [smem:$0x3FB4]  }
0x2e: {  	s3 =	simm.s32 @!p0 $0x1082;
	s9 =	sld [smem:$0x3FB5]  }
0x2f: {  	lr =	sadd.s32 s0, s3;
	s0 =	sld [smem:$0x3FAC]  }
0x30: {  	s3 =	sld [smem:$0x3FAF]  }
0x31: {  	[smem:$0x3FB8] =	sst s10  }
0x32: {  	s10 =	sld [smem:$0x3FB6];
	_ =	sdelay $0x3  }
0x33: {  	p0 =	seq.s32 s10, $0x1;
	s10 =	sld [smem:$0x3FB8];
	_ =	sdelay $0x3  }
0x34: {  	[smem:$0x3FB8] =	sst s10  }
0x35: {  	s10 =	sld [smem:$0x3FB7];
	_ =	sdelay $0x3  }
0x36: {  	p1 =	seq.s32 s10, $0x1;
	s10 =	sld [smem:$0x3FB8];
	_ =	sdelay $0x3  }
0x37: {  	[smem:$0x3FB8] =	sst s10  }
0x38: {  	s10 =	sld [smem:$0x3FB9]  }
0x39: {  	_ = 	snop;
	(pc) =	sbr.ind lr, $3  }
0x3a: {  	_ = 	snop  }
0x3b: {  	_ = 	snop  }
0x3c: {  	p2 =	seq.s32 s10, $0x1;
	s10 =	sld [smem:$0x3FB8]  }
0x3d: {  	_ =	shalt  }
0x3e: {  	_ =	shalt  }
0x3f: {  	_ =	shalt  }
0x40: {  	_ =	shalt  }
0x41: {  	_ =	shalt  }
0x42: {  	_ =	shalt  }
0x43: {  	_ =	shalt  }
0x44: {  	_ =	shalt  }
0x45: {  	_ =	shalt  }
0x46: {  	_ =	shalt  }
0x47: {  	_ =	shalt  }
0x48: {  	_ =	shalt  }
0x49: {  	_ =	shalt  }
0x4a: {  	_ =	shalt  }
0x4b: {  	_ =	shalt  }
0x4c: {  	_ =	shalt  }
0x4d: {  	_ =	shalt  }
0x4e: {  	_ =	shalt  }
0x4f: {  	_ =	shalt  }
0x50: {  	_ =	shalt  }
0x51: {  	_ =	shalt  }
0x52: {  	_ =	shalt  }
0x53: {  	_ =	shalt  }
0x54: {  	_ =	shalt  }
0x55: {  	_ =	shalt  }
0x56: {  	_ =	shalt  }
0x57: {  	_ =	shalt  }
0x58: {  	_ =	shalt  }
0x59: {  	_ =	shalt  }
0x5a: {  	_ =	shalt  }
0x5b: {  	_ =	shalt  }
0x5c: {  	_ =	shalt  }
0x5d: {  	_ =	shalt  }
0x5e: {  	_ =	shalt  }
0x5f: {  	_ =	shalt  }
0x60: {  	_ =	shalt  }
0x61: {  	_ =	shalt  }
0x62: {  	_ =	shalt  }
0x63: {  	_ =	shalt  }
0x64: {  	_ =	shalt  }
0x65: {  	_ =	shalt  }
0x66: {  	_ =	shalt  }
0x67: {  	_ =	shalt  }
0x68: {  	_ =	shalt  }
0x69: {  	_ =	shalt  }
0x6a: {  	_ =	shalt  }
0x6b: {  	_ =	shalt  }
0x6c: {  	_ =	shalt  }
0x6d: {  	_ =	shalt  }
0x6e: {  	_ =	shalt  }
0x6f: {  	_ =	shalt  }
0x70: {  	_ =	shalt  }
0x71: {  	_ =	shalt  }
0x72: {  	_ =	shalt  }
0x73: {  	_ =	shalt  }
0x74: {  	_ =	shalt  }
0x75: {  	_ =	shalt  }
0x76: {  	_ =	shalt  }
0x77: {  	_ =	shalt  }
0x78: {  	_ =	shalt  }
0x79: {  	_ =	shalt  }
0x7a: {  	_ =	shalt  }
0x7b: {  	_ =	shalt  }
0x7c: {  	_ =	shalt  }
0x7d: {  	_ =	shalt  }
0x7e: {  	_ =	shalt  }
0x7f: {  	_ =	shalt  }
0x80: {  	_ =	shalt  }
0x81: {  	_ =	shalt  }
0x82: {  	_ =	shalt  }
0x83: {  	_ =	shalt  }
0x84: {  	_ =	shalt  }
0x85: {  	_ =	shalt  }
0x86: {  	_ =	shalt  }
0x87: {  	_ =	shalt  }
.Lfunc_end0:
.L_simem_size_0:
called_computation_lowered:
.L_overlay_start_0:
0x88: {  	s2 =	sld [smem:$0x3FD9]  }
0x89: {  	s3 =	sld [smem:$0x3FFE];
	_ =	sdelay $0x1  }
0x8a: {  	s1 =	srdreg.scid  }
0x8b: {  	s0 =	sand.u32 $0x1, s1  }
0x8c: {  	s14 =	sshll.u32 s0, $0xA;
	s2 =	sadd.s32 s3, s2  }
0x8d: {  	s2 =	sadd.s32 s2, s14  }
0x8e: {  	[smem:$0x3FC4] =	sst s2  }
0x8f: {  	_ = 	snop  }
0x90: {  	s2 =	sld [smem:$0x3FD0]  }
0x91: {  	s15 =	sld [smem:$0x3FC9]  }
0x92: {  	s4 =	sld [smem:$0x3FC7]  }
0x93: {  	s6 =	simm.s32 $0xA;
	s7 =	simm.s32 $0x10;
	s5 =	sld [smem:$0x3FC6]  }
0x94: {  	[smem:s7], [sflag:s6] =	dma.local [hbm:s2], $0x1  }
0x95: {  	_ =	swait.eq [sflag:s6], $0x1  }
0x96: {  	[sflag:s6] =	ssyncset.done $0x0  }
0x97: {  	s16 =	sld [smem:$0x10];
	[sflag:s6] =	ssyncadd.s32 $0xFFFFFFFF  }
0x98: {  	s17 =	sld [smem:$0x11];
	(tm) =	ssettm $0x1  }
0x99: {  	s18 =	sld [smem:$0x3FFB];
	_ =	sdelay $0x3  }
0x9a: {  	_ =	strace s18  }
0x9b: {  	s7 =	sld [smem:$0x3FFC];
	_ =	sdelay $0x3  }
0x9c: {  	_ =	strace s7  }
0x9d: {  	s7 =	sld [smem:$0x3FFD];
	_ =	sdelay $0x3  }
0x9e: {  	_ =	strace s7  }
0x9f: {  	_ =	strace $0x8FFFFFFF  }
0xa0: {  	s19 =	sld [smem:$0x3FDB];
	_ =	sdelay $0x1  }
0xa1: {  	s8 =	simm.s32 $_scs_section_size  }
0xa2: {  	s9 =	simm.s32 $_size__tile_overlayer_lowered;
	s10 =	simm.s32 $_tile_overlayer_lowered  }
0xa3: {  	s22 =	simm.s32 $0x1BFF;
	s21 =	sshll.u32 s10, $0x1;
	s7 =	sadd.s32 s8, s19  }
0xa4: {  	s11 =	simm.s32 $0x0;
	s20 =	sshll.u32 s9, $0x1;
	s9 =	sadd.s32 s21, s7  }
0xa5: {  	[timem:s11], [sflag:s22] =	dma.local [hbm:s9], s20  }
0xa6: {  	_ =	swait.ge [sflag:s22], s20  }
0xa7: {  	s8 =	ssub.s32 $0x0, s20;
	[sflag:s22] =	ssyncset.done $0x0  }
0xa8: {  	[sflag:s22] =	ssyncadd.s32 s8;
	_ =	sdelay $0x1  }
0xa9: {  	s23 =	simm.s32 $0x1B8B  }
0xaa: {  	_ =	swait.ge [sflag:s23], $0x1  }
0xab: {  	[sflag:s23] =	ssyncset.done $0x0  }
0xac: {  	s25 =	simm.s32 $0x1B8E;
	s24 =	sld [smem:$0x3FFE];
	[sflag:s23] =	ssyncadd.s32 $0xFFFFFFFF  }
0xad: {  	s26 =	simm.s32 $execute0_lowered;
	[smem:$0x3FD2] =	sst s25  }
0xae: {  	s9 =	sshll.u32 s26, $0x1;
	_ =	strace $0x80000046;
	[dreg:$0x1] =	wrdreg $0xFFFFFFFF  }
0xaf: {  	s28 =	simm.s32 $_size_execute0_lowered;
	s7 =	sadd.s32 s7, s9;
	[dreg:$0x0] =	wrdreg $0x0  }
0xb0: {  	s9 =	sshll.u32 s28, $0x1;
	[dreg:$0x2] =	wrdreg s7  }
0xb1: {  	[dreg:$0x3] =	wrdreg s9  }
0xb2: {  	[dreg:$0x4] =	wrdreg $0xC0  }
0xb3: {  	_ =	task [dreg:s11], $0x5FFFF  }
0xb4: {  	[dreg:$0x1] =	wrdreg $0xFFFFFFFF  }
0xb5: {  	[dreg:$0x0] =	wrdreg $0x60  }
0xb6: {  	[dreg:$0x2] =	wrdreg s15  }
0xb7: {  	[dreg:$0x3] =	wrdreg s24  }
0xb8: {  	[dreg:$0x4] =	wrdreg s4  }
0xb9: {  	[dreg:$0x5] =	wrdreg s5  }
0xba: {  	[dreg:$0x6] =	wrdreg s16  }
0xbb: {  	[dreg:$0x7] =	wrdreg s17  }
0xbc: {  	[dreg:$0x8] =	wrdreg $0x1C0000  }
0xbd: {  	[dreg:$0x9] =	wrdreg $0x9  }
0xbe: {  	_ =	task.clear_ibuf [dreg:s11], $0xAFFFF;
	_ =	strace $0x90000046  }
0xbf: {  	s29 =	simm.s32 $0x9;
	_ =	strace $0x80000048  }
0xc0: {  	_ =	swait.ge [sflag:s29], $0x1  }
0xc1: {  	[sflag:s29] =	ssyncadd.s32 $0xFFFFFFFF  }
0xc2: {  	_ =	strace $0x90000048  }
0xc3: {  	_ =	sfence  }
0xc4: {  	s30 =	sld [smem:$0x0];
	_ =	sdelay $0x2  }
0xc5: {  	s31 =	sshll.u32 s1, $0xD;
	s1 =	sshrl.u32 s1, $0x2  }
0xc6: {  	s3 =	sand.u32 $0x4000, s31;
	s1 =	sadd.s32 s1, s30  }
0xc7: {  	s0 =	sor.u32 s3, s0;
	s1 =	sshll.u32 s1, $0x11  }
0xc8: {  	s0 =	sor.u32 s1, s0  }
0xc9: {  	s0 =	sadd.s32 $0x8F2B, s0  }
0xca: {  	[sflag:s0] =	ssyncadd.remote.s32 $0x1  }
0xcb: {  	_ =	sfence.sel $0xFFFF  }
0xcc: {  	[dreg:$0x0] =	wrdreg $0xFFFFFFFF;
	(pc) =	sbr.abs _section_cstart, $3  }
0xcd: {  	[dreg:$0x1] =	wrdreg $0xFFFFFFFF  }
0xce: {  	_ =	task.clear_ibuf [dreg:s11], $0x2FFFF;
	_ =	strace $0x9FFFFFFF  }
0xcf: {  	(tm) =	ssettm $0x7FFFFFFF  }
tec
execute0_lowered:
.L_overlay_start_1:
0x0: {  	(tag) =	ssettag $0x1  }
0x1: {  	s0 =	rddreg [dreg:$0x1]  }
0x2: {  	s11 =	rddreg [dreg:$0x3]  }
0x3: {  	s1 =	rddreg [dreg:$0x4]  }
0x4: {  	s9 =	rddreg [dreg:$0x5]  }
0x5: {  	s2 =	rddreg [dreg:$0x6]  }
0x6: {  	s3 =	srdreg.scid;
	s8 =	stileid.u32;
	s6 =	simm.s32 $0x0  }
0x7: {  	s3 =	sand.u32 $0x1, s3;
	s4 =	sshll.u32 s8, $0x1;
	[smem:$0x7FF] =	sst s6  }
0x8: {  	s12 =	sadd.s32 $0x200, s11;
	s16 =	sadd.s32 $0x400, s11;
	s17 =	sadd.s32 $0x600, s11  }
0x9: {  	s18 =	sshll.u32 s8, $0xE;
	s19 =	sadd.s32 $0x800, s11;
	s20 =	sshll.u32 s8, $0x7  }
0xa: {  	s21 =	sadd.s32 $0xA00, s11;
	_ =	strace $0x80000047;
	[dreg:$0xa] =	wrdreg s16  }
0xb: {  	s22 =	sadd.s32 $0xC00, s11;
	s28 =	sadd.s32 $0x1200, s11;
	[dreg:$0xb] =	wrdreg s17  }
0xc: {  	s29 =	sadd.s32 $0x1400, s11;
	s30 =	sadd.s32 $0x1600, s11;
	[dreg:$0xc] =	wrdreg s19  }
0xd: {  	s31 =	sadd.s32 $0x1800, s11;
	s4 =	sor.u32 s3, s4;
	[dreg:$0xd] =	wrdreg s21  }
0xe: {  	s3 =	ssub.s32 $0x2, s3;
	[dreg:$0xe] =	wrdreg s22;
	s17 =	sadd.s32 $0x20, s9  }
0xf: {  	s19 =	sadd.s32 $0x30, s9;
	s21 =	sadd.s32 $0x40, s9;
	[dreg:$0x1a] =	wrdreg s17  }
0x10: {  	s22 =	sadd.s32 $0x50, s9;
	s5 =	sshll.u32 s4, $0x9;
	[dreg:$0x1c] =	wrdreg s19  }
0x11: {  	s7 =	sshrl.u32 s3, $0x1;
	s14 =	sshll.u32 s4, $0x7;
	[dreg:$0x1e] =	wrdreg s21  }
0x12: {  	s23 =	sshll.u32 s4, $0xC;
	s13 =	sshll.u32 s4, $0x10;
	[dreg:$0x1f] =	wrdreg s22  }
0x13: {  	s4 =	simm.s32 $0x5;
	s22 =	simm.s32 $0x3;
	[dreg:$0x8] =	wrdreg s14  }
0x14: {  	s0 =	sadd.s32 s5, s0;
	s24 =	sor.u32 $0x20, s14;
	[dreg:$0x17] =	wrdreg s13  }
0x15: {  	s3 =	ssub.s32 s3, s7;
	s25 =	sor.u32 $0x40, s14;
	[dreg:$0x10] =	wrdreg s24  }
0x16: {  	s5 =	sand.u32 $0x380, s20;
	s26 =	sor.u32 $0x60, s14;
	[dreg:$0x11] =	wrdreg s25  }
0x17: {  	s14 =	sadd.s32 $0x10, s9;
	s0 =	sadd.s32 $0x600, s0;
	[dreg:$0x12] =	wrdreg s26  }
0x18: {  	s8 =	sshll.u32 s26, $0x5;
	s10 =	smax.u32 s3, $0x1;
	[dreg:$0x18] =	wrdreg s14  }
0x19: {  	s26 =	sadd.s32 $0x1000, s11;
	[dreg:$0x9] =	wrdreg s0;
	s0 =	sand.u32 $0x20000, s18  }
0x1a: {  	s3 =	simm.s32 $0xC000;
	[dreg:$0x16] =	wrdreg s10;
	s0 =	sadd.s32 s0, s2  }
0x1b: {  	s2 =	sshll.u32 s25, $0x5;
	s25 =	sadd.s32 $0x70, s9;
	s15 =	sadd.s32 s5, s0  }
0x1c: {  	s0 =	sadd.s32 s1, s23;
	s7 =	sadd.s32 s1, s2;
	[smem:$0x7FD] =	sst s25  }
0x1d: {  	s23 =	sadd.s32 $0xE00, s11;
	s2 =	sadd.s32 $0x1A00, s11;
	[dreg:$0xf] =	wrdreg s0  }
0x1e: {  	s5 =	simm.s32 $0x4000;
	[dreg:$0x14] =	wrdreg s7;
	s16 =	sadd.s32 $0x8000, s15  }
0x1f: {  	s25 =	simm.s32 $0x1;
	s18 =	sadd.s32 $0x10000, s15;
	[dreg:$0x19] =	wrdreg s16  }
.Ltmp0:
0x20: {  	s20 =	sadd.s32 $0x18000, s15;
	[dreg:$0x1b] =	wrdreg s18;
	(pc) =	sbr.rel .LBB2_1-.Ltmp0, $4  }
0x21: {  	v4 =	vlaneseq.u32;
	s0 =	sshll.u32 s24, $0x5;
	s24 =	sadd.s32 $0x60, s9;
	[dreg:$0x1d] =	wrdreg s20  }
0x22: {  	vm0 =	vmmov $0xffff;
	v0 =	vand.u32 $0x3, v4;
	s7 =	simm.s32 $0x0;
	s0 =	sadd.s32 s1, s0;
	[smem:$0x7FC] =	sst s24  }
0x23: {  	v1 =	vshrl.u32 v4, $0x2;
	v3 =	vshrl.u32 v4, $0x3;
	v2 =	vand.u32 $0x7, v4;
	s16 =	simm.s32 $0x80;
	[dreg:$0x13] =	wrdreg s0;
	s0 =	sadd.s32 s1, s8  }
0x24: {  	v4 =	vor.u32 $0x8, v4;
	v1 =	vmul.u32 $0x8, v1;
	v3 =	vmul.u32 $0x8, v3;
	s8 =	sadd.s32 $0x1E00, s11;
	[dreg:$0x15] =	wrdreg s0;
	s0 =	sadd.s32 $0x1C00, s11  }
.LBB2_8:
0x25: {  	_ =	swait.ge [sflag:s22], $0x200  }
0x26: {  	[sflag:s22] =	ssyncset.done $0x0  }
0x27: {  	[sflag:s22] =	ssyncadd.s32 $0xFFFFFE00  }
0x28: {  	_ =	swait.ge [sflag:s22], $0x200  }
0x29: {  	[sflag:s22] =	ssyncset.done $0x0  }
0x2a: {  	[sflag:s22] =	ssyncadd.s32 $0xFFFFFE00  }
0x2b: {  	_ =	swait.ge [sflag:s22], $0x200  }
0x2c: {  	[sflag:s22] =	ssyncset.done $0x0  }
0x2d: {  	[sflag:s22] =	ssyncadd.s32 $0xFFFFFE00  }
0x2e: {  	_ =	swait.ge [sflag:s22], $0x200  }
0x2f: {  	s7 =	sld [smem:$0x7FB];
	_ =	sdelay $0x2  }
0x30: {  	s1 =	rddreg [dreg:$0x16];
	s7 =	sadd.s32 $0x1, s7  }
0x31: {  	p0 =	sne.s32 s7, s1  }
.Ltmp1:
0x32: {  	_ = 	snop;
	(pc) =	sbr.rel @!p0 .LBB2_9-.Ltmp1, $3  }
0x33: {  	_ =	sdelay $0x1  }
0x34: {  	[sflag:s22] =	ssyncset.done $0x0  }
0x35: {  	s11 =	smov.u32 s13;
	s12 =	smov.u32 s14;
	[sflag:s22] =	ssyncadd.s32 $0xFFFFFE00  }
.LBB2_1:
0x36: {  	[smem:$0x7FB] =	sst s7  }
0x37: {  	s1 =	rddreg [dreg:$0x0]  }
0x38: {  	[tilespmem:s6], [sflag:$0x5] =	stream.linear.gather [hbm4b:s1+s6], $0x1000, $0x38;
	v63 =	vld [tilespmem:$0x0]  }
0x39: {  	_ =	swait.ge [sflag:s4], $0x1000  }
0x3a: {  	[sflag:s4] =	ssyncset.done $0x0  }
0x3b: {  	s14 =	simm.s32 $0x1000;
	s13 =	rddreg [dreg:$0x9];
	[sflag:s4] =	ssyncadd.s32 $0xFFFFF000  }
0x3c: {  	[tilespmem:s14], [sflag:$0x5] =	stream.linear.gather [hbm4b:s13+s6], $0x1000, $0x38;
	v63 =	vld [tilespmem:$0x0]  }
0x3d: {  	_ =	swait.ge [sflag:s4], $0x1000  }
0x3e: {  	[sflag:s4] =	ssyncset.done $0x0  }
0x3f: {  	[sflag:s4] =	ssyncadd.s32 $0xFFFFF000  }
0x40: {  	v5 =	vld.msk [tilespmem:$0x1000], $0xf;
	_ =	sdelay $0x4  }
0x41: {  	v6 =	vshll.u32 v5, $0x6  }
0x42: {  	v5 =	vand.u32 $0x7, v5;
	v6 =	vand.u32 $0xFFFFFE00, v6  }
0x43: {  	v5 =	vor.u32 v5, v6  }
0x44: {  	v5 =	vperm.xlane v5, v0;
	_ =	sdelay $0x1  }
0x45: {  	v5 =	vadd.s32 v1, v5;
	_ =	sdelay $0x4  }
0x46: {  	[tilespmem:s5], [sflag:$0x1] =	stream.indirect_vreg.gather [hbm4b:s11+s6], $0x80, v5, vm0, $0xb8;
	v63 =	vld [tilespmem:$0x0]  }
0x47: {  	s17 =	simm.s32 $0x4800  }
0x48: {  	[tilespmem:s17], [sflag:$0x1] =	stream.indirect_vreg.gather [hbm4b:s12+s6], $0x80, v5, vm0, $0xb8;
	v63 =	vld [tilespmem:$0x0]  }
0x49: {  	s18 =	simm.s32 $0x5000;
	s1 =	rddreg [dreg:$0xa]  }
0x4a: {  	[tilespmem:s18], [sflag:$0x1] =	stream.indirect_vreg.gather [hbm4b:s1+s6], $0x80, v5, vm0, $0xb8;
	v63 =	vld [tilespmem:$0x0]  }
0x4b: {  	s9 =	simm.s32 $0x5800;
	s7 =	rddreg [dreg:$0xb]  }
0x4c: {  	[tilespmem:s9], [sflag:$0x1] =	stream.indirect_vreg.gather [hbm4b:s7+s6], $0x80, v5, vm0, $0xb8;
	v63 =	vld [tilespmem:$0x0]  }
0x4d: {  	s10 =	simm.s32 $0x6000;
	s9 =	rddreg [dreg:$0xc]  }
0x4e: {  	[tilespmem:s10], [sflag:$0x1] =	stream.indirect_vreg.gather [hbm4b:s9+s6], $0x80, v5, vm0, $0xb8;
	v63 =	vld [tilespmem:$0x0]  }
0x4f: {  	s13 =	simm.s32 $0x6800;
	s10 =	rddreg [dreg:$0xd]  }
0x50: {  	[tilespmem:s13], [sflag:$0x1] =	stream.indirect_vreg.gather [hbm4b:s10+s6], $0x80, v5, vm0, $0xb8;
	v63 =	vld [tilespmem:$0x0]  }
0x51: {  	s14 =	simm.s32 $0x7000;
	s13 =	rddreg [dreg:$0xe]  }
0x52: {  	[tilespmem:s14], [sflag:$0x1] =	stream.indirect_vreg.gather [hbm4b:s13+s6], $0x80, v5, vm0, $0xb8;
	v63 =	vld [tilespmem:$0x0]  }
0x53: {  	s19 =	simm.s32 $0x7800  }
0x54: {  	[tilespmem:s19], [sflag:$0x1] =	stream.indirect_vreg.gather [hbm4b:s23+s6], $0x80, v5, vm0, $0xb8;
	v63 =	vld [tilespmem:$0x0]  }
0x55: {  	s20 =	simm.s32 $0x8000  }
0x56: {  	[tilespmem:s20], [sflag:$0x1] =	stream.indirect_vreg.gather [hbm4b:s26+s6], $0x80, v5, vm0, $0xb8;
	v63 =	vld [tilespmem:$0x0]  }
0x57: {  	s21 =	simm.s32 $0x8800  }
0x58: {  	[tilespmem:s21], [sflag:$0x1] =	stream.indirect_vreg.gather [hbm4b:s28+s6], $0x80, v5, vm0, $0xb8;
	v63 =	vld [tilespmem:$0x0]  }
0x59: {  	s24 =	simm.s32 $0x9000  }
0x5a: {  	[tilespmem:s24], [sflag:$0x1] =	stream.indirect_vreg.gather [hbm4b:s29+s6], $0x80, v5, vm0, $0xb8;
	v63 =	vld [tilespmem:$0x0]  }
0x5b: {  	s17 =	simm.s32 $0x9800  }
0x5c: {  	[tilespmem:s17], [sflag:$0x1] =	stream.indirect_vreg.gather [hbm4b:s30+s6], $0x80, v5, vm0, $0xb8;
	v63 =	vld [tilespmem:$0x0]  }
0x5d: {  	s18 =	simm.s32 $0xA000  }
0x5e: {  	[tilespmem:s18], [sflag:$0x1] =	stream.indirect_vreg.gather [hbm4b:s31+s6], $0x80, v5, vm0, $0xb8;
	v63 =	vld [tilespmem:$0x0]  }
0x5f: {  	s19 =	simm.s32 $0xA800  }
0x60: {  	[tilespmem:s19], [sflag:$0x1] =	stream.indirect_vreg.gather [hbm4b:s2+s6], $0x80, v5, vm0, $0xb8;
	v63 =	vld [tilespmem:$0x0]  }
0x61: {  	s20 =	simm.s32 $0xB000  }
0x62: {  	[tilespmem:s20], [sflag:$0x1] =	stream.indirect_vreg.gather [hbm4b:s0+s6], $0x80, v5, vm0, $0xb8;
	v63 =	vld [tilespmem:$0x0]  }
0x63: {  	s21 =	simm.s32 $0xB800  }
0x64: {  	[tilespmem:s21], [sflag:$0x1] =	stream.indirect_vreg.gather [hbm4b:s8+s6], $0x80, v5, vm0, $0xb8;
	v63 =	vld [tilespmem:$0x0]  }
0x65: {  	v5 =	vld.msk [tilespmem:$0x1080], $0xf;
	_ =	sdelay $0x4  }
0x66: {  	v6 =	vshll.u32 v5, $0x6  }
0x67: {  	v5 =	vand.u32 $0x7, v5;
	v6 =	vand.u32 $0xFFFFFE00, v6  }
0x68: {  	v5 =	vor.u32 v5, v6  }
0x69: {  	v5 =	vperm.xlane v5, v0;
	_ =	sdelay $0x1  }
0x6a: {  	v5 =	vadd.s32 v1, v5;
	_ =	sdelay $0x4  }
0x6b: {  	[tilespmem:s3], [sflag:$0x2] =	stream.indirect_vreg.gather [hbm4b:s11+s6], $0x80, v5, vm0, $0xb8;
	v63 =	vld [tilespmem:$0x0]  }
0x6c: {  	s24 =	simm.s32 $0xC800  }
0x6d: {  	[tilespmem:s24], [sflag:$0x2] =	stream.indirect_vreg.gather [hbm4b:s12+s6], $0x80, v5, vm0, $0xb8;
	v63 =	vld [tilespmem:$0x0]  }
0x6e: {  	s17 =	simm.s32 $0xD000  }
0x6f: {  	[tilespmem:s17], [sflag:$0x2] =	stream.indirect_vreg.gather [hbm4b:s1+s6], $0x80, v5, vm0, $0xb8;
	v63 =	vld [tilespmem:$0x0]  }
0x70: {  	s18 =	simm.s32 $0xD800  }
0x71: {  	[tilespmem:s18], [sflag:$0x2] =	stream.indirect_vreg.gather [hbm4b:s7+s6], $0x80, v5, vm0, $0xb8;
	v63 =	vld [tilespmem:$0x0]  }
0x72: {  	s19 =	simm.s32 $0xE000  }
0x73: {  	[tilespmem:s19], [sflag:$0x2] =	stream.indirect_vreg.gather [hbm4b:s9+s6], $0x80, v5, vm0, $0xb8;
	v63 =	vld [tilespmem:$0x0]  }
0x74: {  	s20 =	simm.s32 $0xE800  }
0x75: {  	[tilespmem:s20], [sflag:$0x2] =	stream.indirect_vreg.gather [hbm4b:s10+s6], $0x80, v5, vm0, $0xb8;
	v63 =	vld [tilespmem:$0x0]  }
0x76: {  	s21 =	simm.s32 $0xF000  }
0x77: {  	[tilespmem:s21], [sflag:$0x2] =	stream.indirect_vreg.gather [hbm4b:s13+s6], $0x80, v5, vm0, $0xb8;
	v63 =	vld [tilespmem:$0x0]  }
0x78: {  	s24 =	simm.s32 $0xF800  }
0x79: {  	[tilespmem:s24], [sflag:$0x2] =	stream.indirect_vreg.gather [hbm4b:s23+s6], $0x80, v5, vm0, $0xb8;
	v63 =	vld [tilespmem:$0x0]  }
0x7a: {  	s7 =	simm.s32 $0x10000  }
0x7b: {  	[tilespmem:s7], [sflag:$0x2] =	stream.indirect_vreg.gather [hbm4b:s26+s6], $0x80, v5, vm0, $0xb8;
	v63 =	vld [tilespmem:$0x0]  }
0x7c: {  	s9 =	simm.s32 $0x10800  }
0x7d: {  	[tilespmem:s9], [sflag:$0x2] =	stream.indirect_vreg.gather [hbm4b:s28+s6], $0x80, v5, vm0, $0xb8;
	v63 =	vld [tilespmem:$0x0]  }
0x7e: {  	s10 =	simm.s32 $0x11000  }
0x7f: {  	[tilespmem:s10], [sflag:$0x2] =	stream.indirect_vreg.gather [hbm4b:s29+s6], $0x80, v5, vm0, $0xb8;
	v63 =	vld [tilespmem:$0x0]  }
0x80: {  	s13 =	simm.s32 $0x11800  }
0x81: {  	[tilespmem:s13], [sflag:$0x2] =	stream.indirect_vreg.gather [hbm4b:s30+s6], $0x80, v5, vm0, $0xb8;
	v63 =	vld [tilespmem:$0x0]  }
0x82: {  	s14 =	simm.s32 $0x12000  }
0x83: {  	[tilespmem:s14], [sflag:$0x2] =	stream.indirect_vreg.gather [hbm4b:s31+s6], $0x80, v5, vm0, $0xb8;
	v63 =	vld [tilespmem:$0x0]  }
0x84: {  	s17 =	simm.s32 $0x12800  }
0x85: {  	[tilespmem:s17], [sflag:$0x2] =	stream.indirect_vreg.gather [hbm4b:s2+s6], $0x80, v5, vm0, $0xb8;
	v63 =	vld [tilespmem:$0x0]  }
0x86: {  	s18 =	simm.s32 $0x13000  }
0x87: {  	[tilespmem:s18], [sflag:$0x2] =	stream.indirect_vreg.gather [hbm4b:s0+s6], $0x80, v5, vm0, $0xb8;
	v63 =	vld [tilespmem:$0x0]  }
0x88: {  	s19 =	simm.s32 $0x13800;
	s20 =	rddreg [dreg:$0x8]  }
0x89: {  	[tilespmem:s19], [sflag:$0x2] =	stream.indirect_vreg.gather [hbm4b:s8+s6], $0x80, v5, vm0, $0xb8;
	v63 =	vld [tilespmem:$0x0]  }
0x8a: {  	v5 =	vld [tilespmem:s20+$0x0];
	_ =	sdelay $0x4  }
0x8b: {  	v6 =	vshll.u32 v5, $0x1  }
0x8c: {  	v5 =	vand.u32 $0x7, v5;
	v6 =	vand.u32 $0xFFFFFFF0, v6  }
0x8d: {  	v5 =	vor.u32 v5, v6  }
0x8e: {  	v6 =	vperm.xlane v5, v2;
	_ =	sdelay $0x1  }
0x8f: {  	v5 =	vperm.xlane v5, v4;
	v6 =	vadd.s32 v3, v6;
	_ =	sdelay $0x1  }
0x90: {  	v5 =	vadd.s32 v3, v5;
	_ =	sdelay $0x1  }
0x91: {  	s1 =	rddreg [dreg:$0x2];
	s9 =	simm.s32 $0x2000  }
0x92: {  	[tilespmem:s9], [sflag:$0x4] =	stream.indirect_vreg.gather [hbm4b:s1+s6], $0x80, v6, vm0, $0xb8;
	v63 =	vld [tilespmem:$0x0]  }
0x93: {  	s10 =	simm.s32 $0x2800  }
0x94: {  	[tilespmem:s10], [sflag:$0x4] =	stream.indirect_vreg.gather [hbm4b:s1+s6], $0x80, v5, vm0, $0xb8;
	v63 =	vld [tilespmem:$0x0]  }
0x95: {  	v5 =	vld [tilespmem:s20+$0x10];
	_ =	sdelay $0x4  }
0x96: {  	v6 =	vshll.u32 v5, $0x1  }
0x97: {  	v5 =	vand.u32 $0x7, v5;
	v6 =	vand.u32 $0xFFFFFFF0, v6  }
0x98: {  	v5 =	vor.u32 v5, v6  }
0x99: {  	v6 =	vperm.xlane v5, v2;
	_ =	sdelay $0x1  }
0x9a: {  	v5 =	vperm.xlane v5, v4;
	v6 =	vadd.s32 v3, v6;
	_ =	sdelay $0x1  }
0x9b: {  	v5 =	vadd.s32 v3, v5;
	_ =	sdelay $0x1  }
0x9c: {  	s13 =	simm.s32 $0x3000  }
0x9d: {  	[tilespmem:s13], [sflag:$0x4] =	stream.indirect_vreg.gather [hbm4b:s1+s6], $0x80, v6, vm0, $0xb8;
	v63 =	vld [tilespmem:$0x0]  }
0x9e: {  	s14 =	simm.s32 $0x3800;
	s17 =	simm.s32 $0x4  }
0x9f: {  	[tilespmem:s14], [sflag:$0x4] =	stream.indirect_vreg.gather [hbm4b:s1+s6], $0x80, v5, vm0, $0xb8;
	v63 =	vld [tilespmem:$0x0]  }
0xa0: {  	_ =	swait.ge [sflag:s17], $0x2000  }
0xa1: {  	[sflag:s17] =	ssyncset.done $0x0  }
0xa2: {  	s21 =	rddreg [dreg:$0xf];
	[sflag:s17] =	ssyncadd.s32 $0xFFFFE000  }
0xa3: {  	[hbm4b:s21+s6] =	stream.linear.scatter [tilespmem:s9], [sflag:$0x5], $0x2000, $0x38;
	v63 =	vld [tilespmem:$0x0]  }
0xa4: {  	_ =	swait.ge [sflag:s4], $0x2000  }
0xa5: {  	[sflag:s4] =	ssyncset.done $0x0  }
0xa6: {  	s24 =	rddreg [dreg:$0x10];
	[sflag:s4] =	ssyncadd.s32 $0xFFFFE000  }
0xa7: {  	v5 =	vld [tilespmem:s24+$0x0];
	_ =	sdelay $0x4  }
0xa8: {  	v6 =	vshll.u32 v5, $0x1  }
0xa9: {  	v5 =	vand.u32 $0x7, v5;
	v6 =	vand.u32 $0xFFFFFFF0, v6  }
0xaa: {  	v5 =	vor.u32 v5, v6  }
0xab: {  	v6 =	vperm.xlane v5, v2;
	_ =	sdelay $0x1  }
0xac: {  	v5 =	vperm.xlane v5, v4;
	v6 =	vadd.s32 v3, v6;
	_ =	sdelay $0x1  }
0xad: {  	v5 =	vadd.s32 v3, v5;
	_ =	sdelay $0x2  }
0xae: {  	[tilespmem:s9], [sflag:$0x4] =	stream.indirect_vreg.gather [hbm4b:s1+s6], $0x80, v6, vm0, $0xb8;
	v63 =	vld [tilespmem:$0x0]  }
0xaf: {  	_ = 	snop  }
0xb0: {  	[tilespmem:s10], [sflag:$0x4] =	stream.indirect_vreg.gather [hbm4b:s1+s6], $0x80, v5, vm0, $0xb8;
	v63 =	vld [tilespmem:$0x0]  }
0xb1: {  	v5 =	vld [tilespmem:s24+$0x10];
	_ =	sdelay $0x4  }
0xb2: {  	v6 =	vshll.u32 v5, $0x1  }
0xb3: {  	v5 =	vand.u32 $0x7, v5;
	v6 =	vand.u32 $0xFFFFFFF0, v6  }
0xb4: {  	v5 =	vor.u32 v5, v6  }
0xb5: {  	v6 =	vperm.xlane v5, v2;
	_ =	sdelay $0x1  }
0xb6: {  	v5 =	vperm.xlane v5, v4;
	v6 =	vadd.s32 v3, v6;
	_ =	sdelay $0x1  }
0xb7: {  	v5 =	vadd.s32 v3, v5;
	_ =	sdelay $0x2  }
0xb8: {  	[tilespmem:s13], [sflag:$0x4] =	stream.indirect_vreg.gather [hbm4b:s1+s6], $0x80, v6, vm0, $0xb8;
	v63 =	vld [tilespmem:$0x0]  }
0xb9: {  	_ = 	snop  }
0xba: {  	[tilespmem:s14], [sflag:$0x4] =	stream.indirect_vreg.gather [hbm4b:s1+s6], $0x80, v5, vm0, $0xb8;
	v63 =	vld [tilespmem:$0x0]  }
0xbb: {  	_ =	swait.ge [sflag:s17], $0x2000  }
0xbc: {  	[sflag:s17] =	ssyncset.done $0x0  }
0xbd: {  	s18 =	rddreg [dreg:$0x13];
	[sflag:s17] =	ssyncadd.s32 $0xFFFFE000  }
0xbe: {  	[hbm4b:s18+s6] =	stream.linear.scatter [tilespmem:s9], [sflag:$0x5], $0x2000, $0x38;
	v63 =	vld [tilespmem:$0x0]  }
0xbf: {  	_ =	swait.ge [sflag:s4], $0x2000  }
0xc0: {  	[sflag:s4] =	ssyncset.done $0x0  }
0xc1: {  	s19 =	rddreg [dreg:$0x11];
	[sflag:s4] =	ssyncadd.s32 $0xFFFFE000  }
0xc2: {  	v5 =	vld [tilespmem:s19+$0x0];
	_ =	sdelay $0x4  }
0xc3: {  	v6 =	vshll.u32 v5, $0x1  }
0xc4: {  	v5 =	vand.u32 $0x7, v5;
	v6 =	vand.u32 $0xFFFFFFF0, v6  }
0xc5: {  	v5 =	vor.u32 v5, v6  }
0xc6: {  	v6 =	vperm.xlane v5, v2;
	_ =	sdelay $0x1  }
0xc7: {  	v5 =	vperm.xlane v5, v4;
	v6 =	vadd.s32 v3, v6;
	_ =	sdelay $0x1  }
0xc8: {  	v5 =	vadd.s32 v3, v5;
	_ =	sdelay $0x2  }
0xc9: {  	[tilespmem:s9], [sflag:$0x4] =	stream.indirect_vreg.gather [hbm4b:s1+s6], $0x80, v6, vm0, $0xb8;
	v63 =	vld [tilespmem:$0x0]  }
0xca: {  	_ = 	snop  }
0xcb: {  	[tilespmem:s10], [sflag:$0x4] =	stream.indirect_vreg.gather [hbm4b:s1+s6], $0x80, v5, vm0, $0xb8;
	v63 =	vld [tilespmem:$0x0]  }
0xcc: {  	v5 =	vld [tilespmem:s19+$0x10];
	_ =	sdelay $0x4  }
0xcd: {  	v6 =	vshll.u32 v5, $0x1  }
0xce: {  	v5 =	vand.u32 $0x7, v5;
	v6 =	vand.u32 $0xFFFFFFF0, v6  }
0xcf: {  	v5 =	vor.u32 v5, v6  }
0xd0: {  	v6 =	vperm.xlane v5, v2;
	_ =	sdelay $0x1  }
0xd1: {  	v5 =	vperm.xlane v5, v4;
	v6 =	vadd.s32 v3, v6;
	_ =	sdelay $0x1  }
0xd2: {  	v5 =	vadd.s32 v3, v5;
	_ =	sdelay $0x2  }
0xd3: {  	[tilespmem:s13], [sflag:$0x4] =	stream.indirect_vreg.gather [hbm4b:s1+s6], $0x80, v6, vm0, $0xb8;
	v63 =	vld [tilespmem:$0x0]  }
0xd4: {  	_ = 	snop  }
0xd5: {  	[tilespmem:s14], [sflag:$0x4] =	stream.indirect_vreg.gather [hbm4b:s1+s6], $0x80, v5, vm0, $0xb8;
	v63 =	vld [tilespmem:$0x0]  }
0xd6: {  	_ =	swait.ge [sflag:s17], $0x2000  }
0xd7: {  	[sflag:s17] =	ssyncset.done $0x0  }
0xd8: {  	s20 =	rddreg [dreg:$0x14];
	[sflag:s17] =	ssyncadd.s32 $0xFFFFE000  }
0xd9: {  	[hbm4b:s20+s6] =	stream.linear.scatter [tilespmem:s9], [sflag:$0x5], $0x2000, $0x38;
	v63 =	vld [tilespmem:$0x0]  }
0xda: {  	_ =	swait.ge [sflag:s4], $0x2000  }
0xdb: {  	[sflag:s4] =	ssyncset.done $0x0  }
0xdc: {  	s21 =	rddreg [dreg:$0x12];
	[sflag:s4] =	ssyncadd.s32 $0xFFFFE000  }
0xdd: {  	v5 =	vld [tilespmem:s21+$0x0];
	_ =	sdelay $0x4  }
0xde: {  	v6 =	vshll.u32 v5, $0x1  }
0xdf: {  	v5 =	vand.u32 $0x7, v5;
	v6 =	vand.u32 $0xFFFFFFF0, v6  }
0xe0: {  	v5 =	vor.u32 v5, v6  }
0xe1: {  	v6 =	vperm.xlane v5, v2;
	_ =	sdelay $0x1  }
0xe2: {  	v5 =	vperm.xlane v5, v4;
	v6 =	vadd.s32 v3, v6;
	_ =	sdelay $0x1  }
0xe3: {  	v5 =	vadd.s32 v3, v5;
	_ =	sdelay $0x2  }
0xe4: {  	[tilespmem:s9], [sflag:$0x4] =	stream.indirect_vreg.gather [hbm4b:s1+s6], $0x80, v6, vm0, $0xb8;
	v63 =	vld [tilespmem:$0x0]  }
0xe5: {  	_ = 	snop  }
0xe6: {  	[tilespmem:s10], [sflag:$0x4] =	stream.indirect_vreg.gather [hbm4b:s1+s6], $0x80, v5, vm0, $0xb8;
	v63 =	vld [tilespmem:$0x0]  }
0xe7: {  	v5 =	vld [tilespmem:s21+$0x10];
	_ =	sdelay $0x4  }
0xe8: {  	v6 =	vshll.u32 v5, $0x1  }
0xe9: {  	v5 =	vand.u32 $0x7, v5;
	v6 =	vand.u32 $0xFFFFFFF0, v6  }
0xea: {  	v5 =	vor.u32 v5, v6  }
0xeb: {  	v6 =	vperm.xlane v5, v2;
	_ =	sdelay $0x1  }
0xec: {  	v5 =	vperm.xlane v5, v4;
	v6 =	vadd.s32 v3, v6;
	_ =	sdelay $0x1  }
0xed: {  	v5 =	vadd.s32 v3, v5;
	_ =	sdelay $0x2  }
0xee: {  	[tilespmem:s13], [sflag:$0x4] =	stream.indirect_vreg.gather [hbm4b:s1+s6], $0x80, v6, vm0, $0xb8;
	v63 =	vld [tilespmem:$0x0]  }
0xef: {  	_ = 	snop  }
0xf0: {  	[tilespmem:s14], [sflag:$0x4] =	stream.indirect_vreg.gather [hbm4b:s1+s6], $0x80, v5, vm0, $0xb8;
	v63 =	vld [tilespmem:$0x0]  }
0xf1: {  	_ =	swait.ge [sflag:s17], $0x2000  }
0xf2: {  	[sflag:s17] =	ssyncset.done $0x0  }
0xf3: {  	s24 =	rddreg [dreg:$0x15];
	[sflag:s17] =	ssyncadd.s32 $0xFFFFE000  }
0xf4: {  	[hbm4b:s24+s6] =	stream.linear.scatter [tilespmem:s9], [sflag:$0x5], $0x2000, $0x38;
	v63 =	vld [tilespmem:$0x0]  }
0xf5: {  	_ =	swait.ge [sflag:s4], $0x2000  }
0xf6: {  	[sflag:s4] =	ssyncset.done $0x0  }
0xf7: {  	s24 =	simm.s32 $0x0;
	[sflag:s4] =	ssyncadd.s32 $0xFFFFE000  }
.LBB2_2:
0xf8: {  	_ =	swait.ge [sflag:s25], $0x8000  }
0xf9: {  	[sflag:s25] =	ssyncset.done $0x0  }
0xfa: {  	s1 =	simm.s32 $0x40;
	[sflag:s25] =	ssyncadd.s32 $0xFFFF8000  }
0xfb: {  	v5 =	vld [tilespmem:s1+$0xFFFFFFC0]  }
0xfc: {  	v6 =	vld [tilespmem:s1+$0x10]  }
0xfd: {  	v8 =	vld [tilespmem:s1+$0xFFFFFFE0]  }
0xfe: {  	v7 =	vld [tilespmem:s1+$0x0];
	_ =	sdelay $0x1  }
0xff: {  	v11 =	vld [tilespmem:s1+$0x20]  }
0x100: {  	v12 =	vld [tilespmem:s1+$0xFFFFFFF0];
	v9 =	vshll.u32 v5, $0x2;
	v5 =	vand.u32 $0x7F, v5;
	v10 =	vshll.u32 v6, $0x2  }
0x101: {  	v6 =	vand.u32 $0x7F, v6;
	v14 =	vshll.u32 v8, $0x2;
	v9 =	vand.u32 $0xFFFFFE00, v9  }
0x102: {  	v13 =	vld [tilespmem:s1+$0xFFFFFFD0];
	v8 =	vand.u32 $0x7F, v8;
	v9 =	vor.u32 v5, v9;
	v5 =	vshll.u32 v7, $0x2  }
0x103: {  	v10 =	vand.u32 $0xFFFFFE00, v10;
	v7 =	vand.u32 $0x7F, v7;
	v5 =	vand.u32 $0xFFFFFE00, v5  }
0x104: {  	v10 =	vor.u32 v6, v10;
	v5 =	vor.u32 v7, v5;
	v7 =	vand.u32 $0xFFFFFE00, v14;
	v14 =	vld [tilespmem:s1+$0x30]  }
0x105: {  	v16 =	vand.u32 $0x7F, v12;
	v7 =	vor.u32 v8, v7;
	v8 =	vshll.u32 v11, $0x2  }
0x106: {  	v6 =	vand.u32 $0x7F, v11;
	v17 =	vor.u32 $0x80, v9;
	v8 =	vand.u32 $0xFFFFFE00, v8  }
0x107: {  	v11 =	vshll.u32 v12, $0x2;
	v15 =	vld.idx.msk [tilespmem:v9+s5+$0x0], $0xffff;
	v6 =	vor.u32 v6, v8;
	v8 =	vshll.u32 v13, $0x2  }
0x108: {  	v11 =	vand.u32 $0xFFFFFE00, v11;
	v13 =	vand.u32 $0x7F, v13;
	v8 =	vand.u32 $0xFFFFFE00, v8  }
0x109: {  	v11 =	vor.u32 v16, v11;
	v22 =	vld.idx.msk [tilespmem:v10+s5+$0x0], $0xffff;
	v12 =	vor.u32 v13, v8;
	v8 =	vshll.u32 v14, $0x2  }
0x10a: {  	v18 =	vld.idx.msk [tilespmem:v5+s5+$0x0], $0xffff;
	v13 =	vand.u32 $0x7F, v14;
	v8 =	vand.u32 $0xFFFFFE00, v8  }
0x10b: {  	s1 =	simm.s32 $0x16000;
	v16 =	vld.idx.msk [tilespmem:v7+s5+$0x0], $0xffff;
	v8 =	vor.u32 v13, v8  }
0x10c: {  	v25 =	vor.u32 $0x80, v5;
	[tilespmem:s1+$0xFFFFE000] =	vst v15;
	v15 =	vld.idx.msk [tilespmem:v6+s5+$0x0], $0xffff  }
0x10d: {  	v23 =	vld.idx.msk [tilespmem:v17+s5+$0x0], $0xffff;
	v17 =	vor.u32 $0x80, v10  }
0x10e: {  	v20 =	vor.u32 $0x80, v7;
	v21 =	vld.idx.msk [tilespmem:v11+s5+$0x0], $0xffff  }
0x10f: {  	s7 =	simm.s32 $0x0;
	s9 =	simm.s32 $0xC0;
	s10 =	simm.s32 $0x16000;
	v14 =	vor.u32 $0x80, v6;
	v19 =	vor.u32 $0x80, v12;
	v13 =	vor.u32 $0x80, v8;
	v24 =	vld.idx.msk [tilespmem:v12+s5+$0x0], $0xffff  }
.LBB2_3:
0x110: {  	s7 =	sadd.s32 $0x8, s7;
	[tilespmem:s1+$0xFFFFE040] =	vst v18;
	v18 =	vld.idx.msk [tilespmem:v8+s5+$0x0], $0xffff;
	s10 =	sadd.s32 $0x80, s10  }
0x111: {  	p0 =	slt.u32 s7, $0xF8;
	v25 =	vld.idx.msk [tilespmem:v25+s5+$0x0], $0xffff;
	[tilespmem:s1+$0xFFFFE050] =	vst v22  }
0x112: {  	v22 =	vor.u32 $0x100, v9;
	v17 =	vld.idx.msk [tilespmem:v17+s5+$0x0], $0xffff  }
0x113: {  	v26 =	vld [tilespmem:s9+$0x10];
	[tilespmem:s1+$0xFFFFF000] =	vst v23  }
0x114: {  	v23 =	vld [tilespmem:s9+$0xFFFFFFE0];
	[tilespmem:s1+$0xFFFFE010] =	vst v24;
	v24 =	vor.u32 $0x80, v11  }
0x115: {  	v19 =	vld.idx.msk [tilespmem:v19+s5+$0x0], $0xffff;
	[tilespmem:s1+$0xFFFFE020] =	vst v16  }
0x116: {  	v16 =	vld.idx.msk [tilespmem:v20+s5+$0x0], $0xffff;
	[tilespmem:s1+$0xFFFFE070] =	vst v18  }
0x117: {  	v18 =	vld.idx.msk [tilespmem:v22+s5+$0x0], $0xffff;
	[tilespmem:s1+$0xFFFFF040] =	vst v25  }
0x118: {  	v20 =	vld [tilespmem:s9+$0xFFFFFFF0];
	[tilespmem:s1+$0xFFFFE030] =	vst v21  }
0x119: {  	v21 =	vld.idx.msk [tilespmem:v24+s5+$0x0], $0xffff;
	[tilespmem:s1+$0xFFFFF050] =	vst v17  }
0x11a: {  	v17 =	vld [tilespmem:s9+$0xFFFFFFC0];
	[tilespmem:s1+$0xFFFFE060] =	vst v15  }
0x11b: {  	[tilespmem:s1+$0xFFFFF010] =	vst v19;
	v13 =	vld.idx.msk [tilespmem:v13+s5+$0x0], $0xffff  }
0x11c: {  	v15 =	vld [tilespmem:s9+$0x20];
	[tilespmem:s1+$0xFFFFF020] =	vst v16;
	v16 =	vor.u32 $0x100, v10  }
0x11d: {  	v19 =	vld [tilespmem:s9+$0x30];
	[tilespmem:s1+$0x0] =	vst v18;
	v18 =	vor.u32 $0x100, v12  }
0x11e: {  	v24 =	vor.u32 $0x100, v11;
	v22 =	vld [tilespmem:s9+$0xFFFFFFD0]  }
0x11f: {  	v25 =	vor.u32 $0x180, v9;
	[tilespmem:s1+$0xFFFFF030] =	vst v21;
	v14 =	vld.idx.msk [tilespmem:v14+s5+$0x0], $0xffff  }
0x120: {  	v27 =	vor.u32 $0x100, v7;
	v28 =	vor.u32 $0x180, v10;
	v10 =	vor.u32 $0x100, v6;
	v21 =	vld [tilespmem:s9+$0x0]  }
0x121: {  	v29 =	vor.u32 $0x100, v5;
	v9 =	vshll.u32 v17, $0x2;
	v16 =	vld.idx.msk [tilespmem:v16+s5+$0x0], $0xffff;
	[tilespmem:s1+$0xFFFFF070] =	vst v13;
	v13 =	vor.u32 $0x100, v8  }
0x122: {  	v9 =	vand.u32 $0xFFFFFE00, v9;
	v30 =	vand.u32 $0x7F, v19;
	v19 =	vshll.u32 v19, $0x2;
	v18 =	vld.idx.msk [tilespmem:v18+s5+$0x0], $0xffff  }
0x123: {  	v11 =	vor.u32 $0x180, v11;
	v17 =	vand.u32 $0x7F, v17;
	v19 =	vand.u32 $0xFFFFFE00, v19;
	v24 =	vld.idx.msk [tilespmem:v24+s5+$0x0], $0xffff  }
0x124: {  	v12 =	vor.u32 $0x180, v12;
	v9 =	vor.u32 v17, v9;
	v17 =	vshll.u32 v26, $0x2;
	v25 =	vld.idx.msk [tilespmem:v25+s5+$0x0], $0xffff  }
0x125: {  	v31 =	vshll.u32 v20, $0x2;
	v19 =	vor.u32 v30, v19;
	v32 =	vshll.u32 v21, $0x2;
	v27 =	vld.idx.msk [tilespmem:v27+s5+$0x0], $0xffff;
	[tilespmem:s1+$0xFFFFF060] =	vst v14  }
0x126: {  	v26 =	vand.u32 $0x7F, v26;
	v14 =	vand.u32 $0xFFFFFE00, v31;
	v21 =	vand.u32 $0x7F, v21;
	v30 =	vld.idx.msk [tilespmem:v10+s5+$0x0], $0xffff  }
0x127: {  	v17 =	vand.u32 $0xFFFFFE00, v17;
	v31 =	vor.u32 $0x180, v7;
	v10 =	vand.u32 $0xFFFFFE00, v32;
	[tilespmem:s1+$0x50] =	vst v16;
	v13 =	vld.idx.msk [tilespmem:v13+s5+$0x0], $0xffff  }
0x128: {  	v7 =	vshll.u32 v23, $0x2;
	v16 =	vor.u32 v21, v10;
	v10 =	vor.u32 v26, v17;
	[tilespmem:s1+$0x10] =	vst v18;
	v17 =	vld.idx.msk [tilespmem:v29+s5+$0x0], $0xffff  }
0x129: {  	v7 =	vand.u32 $0xFFFFFE00, v7;
	v18 =	vor.u32 $0x180, v8;
	v8 =	vmov v19;
	v12 =	vld.idx.msk [tilespmem:v12+s5+$0x0], $0xffff;
	[tilespmem:s1+$0x30] =	vst v24  }
0x12a: {  	v19 =	vand.u32 $0x7F, v23;
	v23 =	vor.u32 $0x180, v5;
	v5 =	vmovc v16;
	v24 =	vor.u32 $0x180, v6;
	[tilespmem:s1+$0x1000] =	vst v25;
	v21 =	vld.idx.msk [tilespmem:v11+s5+$0x0], $0xffff  }
0x12b: {  	v26 =	vor.u32 $0x80, v9;
	v7 =	vor.u32 v19, v7;
	v6 =	vand.u32 $0x7F, v20;
	[tilespmem:s1+$0x20] =	vst v27;
	v16 =	vld.idx.msk [tilespmem:v28+s5+$0x0], $0xffff  }
0x12c: {  	v11 =	vor.u32 v6, v14;
	v6 =	vshll.u32 v15, $0x2;
	v14 =	vld.idx.msk [tilespmem:v31+s5+$0x0], $0xffff;
	[tilespmem:s1+$0x60] =	vst v30  }
0x12d: {  	v15 =	vand.u32 $0x7F, v15;
	v6 =	vand.u32 $0xFFFFFE00, v6;
	v20 =	vld.idx.msk [tilespmem:v9+s5+$0x0], $0xffff;
	[tilespmem:s1+$0x70] =	vst v13  }
0x12e: {  	v6 =	vor.u32 v15, v6;
	[tilespmem:s1+$0x40] =	vst v17;
	v27 =	vld.idx.msk [tilespmem:v18+s5+$0x0], $0xffff  }
0x12f: {  	v13 =	vshll.u32 v22, $0x2;
	v17 =	vor.u32 $0x80, v10;
	v18 =	vld.idx.msk [tilespmem:v5+s5+$0x0], $0xffff;
	[tilespmem:s1+$0x1010] =	vst v12  }
0x130: {  	v15 =	vand.u32 $0xFFFFFE00, v13;
	v13 =	vor.u32 $0x80, v8;
	v12 =	vand.u32 $0x7F, v22;
	[tilespmem:s1+$0x1030] =	vst v21;
	v21 =	vld.idx.msk [tilespmem:v23+s5+$0x0], $0xffff  }
0x131: {  	v12 =	vor.u32 v12, v15;
	[tilespmem:s1+$0x1050] =	vst v16;
	v28 =	vld.idx.msk [tilespmem:v24+s5+$0x0], $0xffff  }
0x132: {  	v19 =	vor.u32 $0x80, v12;
	v16 =	vld.idx.msk [tilespmem:v7+s5+$0x0], $0xffff  }
.Ltmp2:
0x133: {  	[tilespmem:s10+$0xFFFFE000] =	vst v20;
	v20 =	vor.u32 $0x80, v7;
	v22 =	vld.idx.msk [tilespmem:v10+s5+$0x0], $0xffff;
	(pc) =	sbr.rel @p0 .LBB2_3-.Ltmp2, $4  }
0x134: {  	v25 =	vor.u32 $0x80, v5;
	v15 =	vld.idx.msk [tilespmem:v6+s5+$0x0], $0xffff;
	[tilespmem:s1+$0x1070] =	vst v27  }
0x135: {  	v23 =	vld.idx.msk [tilespmem:v26+s5+$0x0], $0xffff;
	[tilespmem:s1+$0x1020] =	vst v14  }
0x136: {  	v24 =	vld.idx.msk [tilespmem:v12+s5+$0x0], $0xffff;
	[tilespmem:s1+$0x1040] =	vst v21  }
0x137: {  	s9 =	sadd.s32 $0x80, s9;
	v14 =	vor.u32 $0x80, v6;
	v21 =	vld.idx.msk [tilespmem:v11+s5+$0x0], $0xffff;
	[tilespmem:s1+$0x1060] =	vst v28;
	s1 =	smov.u32 s10  }
0x138: {  	_ =	sdelay $0x2  }
0x139: {  	[tilespmem:s1+$0xFFFFE040] =	vst v18  }
0x13a: {  	v18 =	vld.idx.msk [tilespmem:v8+s5+$0x0], $0xffff;
	[tilespmem:s1+$0xFFFFE050] =	vst v22  }
0x13b: {  	[tilespmem:s1+$0xFFFFE020] =	vst v16;
	v22 =	vld.idx.msk [tilespmem:v25+s5+$0x0], $0xffff;
	v25 =	vor.u32 $0x100, v9  }
0x13c: {  	[tilespmem:s1+$0xFFFFF000] =	vst v23  }
0x13d: {  	v17 =	vld.idx.msk [tilespmem:v17+s5+$0x0], $0xffff;
	v23 =	vor.u32 $0x80, v11;
	[tilespmem:s1+$0xFFFFE010] =	vst v24  }
0x13e: {  	[tilespmem:s1+$0xFFFFE060] =	vst v15;
	v16 =	vld.idx.msk [tilespmem:v19+s5+$0x0], $0xffff  }
0x13f: {  	[tilespmem:s1+$0xFFFFE070] =	vst v18;
	v18 =	vld.idx.msk [tilespmem:v20+s5+$0x0], $0xffff  }
0x140: {  	v19 =	vor.u32 $0x100, v10;
	[tilespmem:s1+$0xFFFFF040] =	vst v22;
	v22 =	vld.idx.msk [tilespmem:v25+s5+$0x0], $0xffff  }
0x141: {  	v15 =	vor.u32 $0x100, v7;
	[tilespmem:s1+$0xFFFFE030] =	vst v21;
	v13 =	vld.idx.msk [tilespmem:v13+s5+$0x0], $0xffff  }
0x142: {  	v21 =	vor.u32 $0x100, v12;
	[tilespmem:s1+$0xFFFFF050] =	vst v17;
	v20 =	vld.idx.msk [tilespmem:v23+s5+$0x0], $0xffff  }
0x143: {  	v9 =	vor.u32 $0x180, v9;
	[tilespmem:s1+$0xFFFFF010] =	vst v16  }
0x144: {  	v14 =	vld.idx.msk [tilespmem:v14+s5+$0x0], $0xffff;
	v17 =	vor.u32 $0x100, v11;
	[tilespmem:s1+$0xFFFFF020] =	vst v18  }
0x145: {  	v16 =	vld.idx.msk [tilespmem:v19+s5+$0x0], $0xffff;
	v19 =	vor.u32 $0x100, v6;
	[tilespmem:s1+$0x0] =	vst v22  }
0x146: {  	v18 =	vor.u32 $0x100, v8;
	[tilespmem:s1+$0xFFFFF070] =	vst v13;
	v13 =	vld.idx.msk [tilespmem:v15+s5+$0x0], $0xffff  }
0x147: {  	v10 =	vor.u32 $0x180, v10;
	[tilespmem:s1+$0xFFFFF030] =	vst v20;
	v20 =	vld.idx.msk [tilespmem:v21+s5+$0x0], $0xffff  }
0x148: {  	v21 =	vor.u32 $0x100, v5;
	v9 =	vld.idx.msk [tilespmem:v9+s5+$0x0], $0xffff  }
0x149: {  	v7 =	vor.u32 $0x180, v7;
	[tilespmem:s1+$0xFFFFF060] =	vst v14;
	v17 =	vld.idx.msk [tilespmem:v17+s5+$0x0], $0xffff  }
0x14a: {  	v12 =	vor.u32 $0x180, v12;
	[tilespmem:s1+$0x50] =	vst v16;
	v15 =	vld.idx.msk [tilespmem:v19+s5+$0x0], $0xffff  }
0x14b: {  	v11 =	vor.u32 $0x180, v11;
	v14 =	vld.idx.msk [tilespmem:v18+s5+$0x0], $0xffff;
	[tilespmem:s1+$0x20] =	vst v13  }
0x14c: {  	v6 =	vor.u32 $0x180, v6;
	v10 =	vld.idx.msk [tilespmem:v10+s5+$0x0], $0xffff;
	[tilespmem:s1+$0x10] =	vst v20  }
0x14d: {  	v8 =	vor.u32 $0x180, v8;
	v16 =	vld.idx.msk [tilespmem:v21+s5+$0x0], $0xffff;
	[tilespmem:s1+$0x1000] =	vst v9  }
0x14e: {  	v5 =	vor.u32 $0x180, v5;
	v7 =	vld.idx.msk [tilespmem:v7+s5+$0x0], $0xffff;
	[tilespmem:s1+$0x30] =	vst v17  }
0x14f: {  	v12 =	vld.idx.msk [tilespmem:v12+s5+$0x0], $0xffff;
	[tilespmem:s1+$0x60] =	vst v15  }
0x150: {  	v9 =	vld.idx.msk [tilespmem:v11+s5+$0x0], $0xffff;
	[tilespmem:s1+$0x70] =	vst v14  }
0x151: {  	v6 =	vld.idx.msk [tilespmem:v6+s5+$0x0], $0xffff;
	[tilespmem:s1+$0x1050] =	vst v10  }
0x152: {  	v8 =	vld.idx.msk [tilespmem:v8+s5+$0x0], $0xffff;
	[tilespmem:s1+$0x40] =	vst v16  }
0x153: {  	[tilespmem:s1+$0x1020] =	vst v7;
	v5 =	vld.idx.msk [tilespmem:v5+s5+$0x0], $0xffff  }
0x154: {  	[tilespmem:s1+$0x1010] =	vst v12  }
0x155: {  	[tilespmem:s1+$0x1030] =	vst v9  }
0x156: {  	[tilespmem:s1+$0x1060] =	vst v6  }
0x157: {  	p0 =	seq.s32 s24, $0x0;
	[tilespmem:s1+$0x1070] =	vst v8  }
0x158: {  	[tilespmem:s1+$0x1040] =	vst v5;
	s1 =	simm.s32 @!p0 $0x3  }
0x159: {  	_ =	swait.ge @!p0 [sflag:s1], $0x200  }
0x15a: {  	[sflag:s1] =	ssyncset.done @!p0 $0x0  }
0x15b: {  	[sflag:s1] =	ssyncadd.s32 @!p0 $0xFFFFFE00  }
0x15c: {  	_ =	swait.ge @!p0 [sflag:s1], $0x200  }
0x15d: {  	[sflag:s1] =	ssyncset.done @!p0 $0x0  }
0x15e: {  	[sflag:s1] =	ssyncadd.s32 @!p0 $0xFFFFFE00  }
0x15f: {  	_ =	swait.ge @!p0 [sflag:s1], $0x200  }
0x160: {  	[sflag:s1] =	ssyncset.done @!p0 $0x0  }
0x161: {  	[sflag:s1] =	ssyncadd.s32 @!p0 $0xFFFFFE00  }
0x162: {  	_ =	swait.ge @!p0 [sflag:s1], $0x200  }
0x163: {  	[sflag:s1] =	ssyncset.done @!p0 $0x0  }
0x164: {  	s13 =	simm.s32 $0x400;
	s7 =	simm.s32 $0x14000;
	[sflag:s1] =	ssyncadd.s32 @!p0 $0xFFFFFE00  }
0x165: {  	[spmem:s15] =	stream.strided.scatter [tilespmem:s7], [sflag:$0x5], $0x4000, s13, s16, $0x38;
	v63 =	vld [tilespmem:$0x0]  }
0x166: {  	_ =	swait.ge [sflag:s4], $0x4000  }
0x167: {  	s14 =	sshll.u32 s24, $0xC;
	[sflag:s4] =	ssyncset.done $0x0  }
0x168: {  	s18 =	stileid.u32;
	s17 =	rddreg [dreg:$0x17];
	[sflag:s4] =	ssyncadd.s32 $0xFFFFC000  }
0x169: {  	s1 =	sshll.u32 s18, $0x6;
	s17 =	sadd.s32 s17, s14;
	s19 =	rddreg [dreg:$0x5]  }
0x16a: {  	s18 =	sor.u32 $0x1C03, s1;
	s7 =	sadd.s32 s19, s17;
	s19 =	sshrl.u32 s15, $0x3  }
0x16b: {  	[hbm:s7@s16], [sflag:s18] =	dma.strided [spmem:s19@s16], $0x200, s25, $0x10   }
0x16c: {  	s20 =	rddreg [dreg:$0x18]  }
0x16d: {  	s9 =	rddreg [dreg:$0x19]  }
0x16e: {  	s21 =	sadd.s32 s17, s20;
	s1 =	sshrl.u32 s9, $0x3  }
0x16f: {  	[hbm:s21@s16], [sflag:s18] =	dma.strided [spmem:s1@s16], $0x200, s25, $0x10   }
0x170: {  	s7 =	rddreg [dreg:$0x1a]  }
0x171: {  	s9 =	rddreg [dreg:$0x1b]  }
0x172: {  	s7 =	sadd.s32 s17, s7;
	s20 =	sshrl.u32 s9, $0x3  }
0x173: {  	[hbm:s7@s16], [sflag:s18] =	dma.strided [spmem:s20@s16], $0x200, s25, $0x10   }
0x174: {  	s7 =	rddreg [dreg:$0x1c]  }
0x175: {  	s10 =	rddreg [dreg:$0x1d]  }
0x176: {  	s7 =	sadd.s32 s17, s7;
	s21 =	sshrl.u32 s10, $0x3  }
0x177: {  	[hbm:s7@s16], [sflag:s18] =	dma.strided [spmem:s21@s16], $0x200, s25, $0x10   }
0x178: {  	p0 =	seq.s32 s24, $0xF;
	s7 =	sshll.u32 s24, $0xA  }
0x179: {  	s9 =	sshrl.u32 @!p0 s7, $0x2  }
0x17a: {  	v5 =	vld.msk @!p0 [tilespmem:s9+$0x1100], $0xf;
	_ =	sdelay $0x4  }
0x17b: {  	v6 =	vshll.u32 @!p0 v5, $0x6  }
0x17c: {  	v7 =	vlaneseq.u32 @!p0;
	v5 =	vand.u32 @!p0 $0x7, v5;
	v6 =	vand.u32 @!p0 $0xFFFFFE00, v6  }
0x17d: {  	v5 =	vor.u32 @!p0 v5, v6;
	v6 =	vand.u32 @!p0 $0x3, v7;
	v7 =	vshrl.u32 @!p0 v7, $0x2  }
0x17e: {  	v5 =	vperm.xlane @!p0 v5, v6;
	v6 =	vmul.u32 @!p0 $0x8, v7;
	_ =	sdelay $0x1  }
0x17f: {  	v5 =	vadd.s32 @!p0 v6, v5;
	_ =	sdelay $0x3  }
0x180: {  	vm1 =	vmmov @!p0 $0xffff;
	s10 =	simm.s32 @!p0 $0x4000;
	s9 =	simm.s32 @!p0 $0x0  }
0x181: {  	[tilespmem:s10], [sflag:$0x1] =	stream.indirect_vreg.gather @!p0 [hbm4b:s11+s9], $0x80, v5, vm1, $0xb8;
	v63 =	vld [tilespmem:$0x0]  }
0x182: {  	s10 =	simm.s32 @!p0 $0x4800  }
0x183: {  	[tilespmem:s10], [sflag:$0x1] =	stream.indirect_vreg.gather @!p0 [hbm4b:s12+s9], $0x80, v5, vm1, $0xb8;
	v63 =	vld [tilespmem:$0x0]  }
0x184: {  	s13 =	smov.u32 s11;
	s11 =	rddreg [dreg:$0xa];
	s10 =	simm.s32 @!p0 $0x5000  }
0x185: {  	[tilespmem:s10], [sflag:$0x1] =	stream.indirect_vreg.gather @!p0 [hbm4b:s11+s9], $0x80, v5, vm1, $0xb8;
	v63 =	vld [tilespmem:$0x0]  }
0x186: {  	s10 =	simm.s32 @!p0 $0x5800;
	s11 =	rddreg [dreg:$0xb]  }
0x187: {  	[tilespmem:s10], [sflag:$0x1] =	stream.indirect_vreg.gather @!p0 [hbm4b:s11+s9], $0x80, v5, vm1, $0xb8;
	v63 =	vld [tilespmem:$0x0]  }
0x188: {  	s10 =	simm.s32 @!p0 $0x6000;
	s11 =	rddreg [dreg:$0xc]  }
0x189: {  	[tilespmem:s10], [sflag:$0x1] =	stream.indirect_vreg.gather @!p0 [hbm4b:s11+s9], $0x80, v5, vm1, $0xb8;
	v63 =	vld [tilespmem:$0x0]  }
0x18a: {  	s10 =	simm.s32 @!p0 $0x6800;
	s11 =	rddreg [dreg:$0xd]  }
0x18b: {  	[tilespmem:s10], [sflag:$0x1] =	stream.indirect_vreg.gather @!p0 [hbm4b:s11+s9], $0x80, v5, vm1, $0xb8;
	v63 =	vld [tilespmem:$0x0]  }
0x18c: {  	s10 =	simm.s32 @!p0 $0x7000;
	s11 =	rddreg [dreg:$0xe]  }
0x18d: {  	[tilespmem:s10], [sflag:$0x1] =	stream.indirect_vreg.gather @!p0 [hbm4b:s11+s9], $0x80, v5, vm1, $0xb8;
	v63 =	vld [tilespmem:$0x0]  }
0x18e: {  	s10 =	simm.s32 @!p0 $0x7800  }
0x18f: {  	[tilespmem:s10], [sflag:$0x1] =	stream.indirect_vreg.gather @!p0 [hbm4b:s23+s9], $0x80, v5, vm1, $0xb8;
	v63 =	vld [tilespmem:$0x0]  }
0x190: {  	s10 =	simm.s32 @!p0 $0x8000  }
0x191: {  	[tilespmem:s10], [sflag:$0x1] =	stream.indirect_vreg.gather @!p0 [hbm4b:s26+s9], $0x80, v5, vm1, $0xb8;
	v63 =	vld [tilespmem:$0x0]  }
0x192: {  	s10 =	simm.s32 @!p0 $0x8800  }
0x193: {  	[tilespmem:s10], [sflag:$0x1] =	stream.indirect_vreg.gather @!p0 [hbm4b:s28+s9], $0x80, v5, vm1, $0xb8;
	v63 =	vld [tilespmem:$0x0]  }
0x194: {  	s10 =	simm.s32 @!p0 $0x9000  }
0x195: {  	[tilespmem:s10], [sflag:$0x1] =	stream.indirect_vreg.gather @!p0 [hbm4b:s29+s9], $0x80, v5, vm1, $0xb8;
	v63 =	vld [tilespmem:$0x0]  }
0x196: {  	s10 =	simm.s32 @!p0 $0x9800  }
0x197: {  	[tilespmem:s10], [sflag:$0x1] =	stream.indirect_vreg.gather @!p0 [hbm4b:s30+s9], $0x80, v5, vm1, $0xb8;
	v63 =	vld [tilespmem:$0x0]  }
0x198: {  	s10 =	simm.s32 @!p0 $0xA000  }
0x199: {  	[tilespmem:s10], [sflag:$0x1] =	stream.indirect_vreg.gather @!p0 [hbm4b:s31+s9], $0x80, v5, vm1, $0xb8;
	v63 =	vld [tilespmem:$0x0]  }
0x19a: {  	s10 =	simm.s32 @!p0 $0xA800  }
0x19b: {  	[tilespmem:s10], [sflag:$0x1] =	stream.indirect_vreg.gather @!p0 [hbm4b:s2+s9], $0x80, v5, vm1, $0xb8;
	v63 =	vld [tilespmem:$0x0]  }
0x19c: {  	s10 =	simm.s32 @!p0 $0xB000  }
0x19d: {  	[tilespmem:s10], [sflag:$0x1] =	stream.indirect_vreg.gather @!p0 [hbm4b:s0+s9], $0x80, v5, vm1, $0xb8;
	v63 =	vld [tilespmem:$0x0]  }
0x19e: {  	s11 =	simm.s32 $0x2;
	s10 =	simm.s32 @!p0 $0xB800  }
0x19f: {  	[tilespmem:s10], [sflag:$0x1] =	stream.indirect_vreg.gather @!p0 [hbm4b:s8+s9], $0x80, v5, vm1, $0xb8;
	v63 =	vld [tilespmem:$0x0]  }
0x1a0: {  	_ =	swait.ge [sflag:s11], $0x8000  }
0x1a1: {  	[sflag:s11] =	ssyncset.done $0x0  }
0x1a2: {  	s14 =	smov.u32 s12;
	s12 =	simm.s32 $0x40;
	[sflag:s11] =	ssyncadd.s32 $0xFFFF8000  }
0x1a3: {  	v5 =	vld [tilespmem:s12+$0xFFFFFFC0]  }
0x1a4: {  	v6 =	vld [tilespmem:s12+$0x10]  }
0x1a5: {  	v8 =	vld [tilespmem:s12+$0xFFFFFFE0]  }
0x1a6: {  	v7 =	vld [tilespmem:s12+$0x0];
	_ =	sdelay $0x1  }
0x1a7: {  	v11 =	vld [tilespmem:s12+$0x20]  }
0x1a8: {  	v12 =	vld [tilespmem:s12+$0xFFFFFFF0];
	v9 =	vshll.u32 v5, $0x2;
	v5 =	vand.u32 $0x7F, v5;
	v10 =	vshll.u32 v6, $0x2  }
0x1a9: {  	v6 =	vand.u32 $0x7F, v6;
	v14 =	vshll.u32 v8, $0x2;
	v9 =	vand.u32 $0xFFFFFE00, v9  }
0x1aa: {  	v13 =	vld [tilespmem:s12+$0xFFFFFFD0];
	v8 =	vand.u32 $0x7F, v8;
	v9 =	vor.u32 v5, v9;
	v5 =	vshll.u32 v7, $0x2  }
0x1ab: {  	v10 =	vand.u32 $0xFFFFFE00, v10;
	v7 =	vand.u32 $0x7F, v7;
	v5 =	vand.u32 $0xFFFFFE00, v5  }
0x1ac: {  	v10 =	vor.u32 v6, v10;
	v5 =	vor.u32 v7, v5;
	v7 =	vand.u32 $0xFFFFFE00, v14;
	v14 =	vld [tilespmem:s12+$0x30]  }
0x1ad: {  	v16 =	vand.u32 $0x7F, v12;
	v7 =	vor.u32 v8, v7;
	v8 =	vshll.u32 v11, $0x2  }
0x1ae: {  	v6 =	vand.u32 $0x7F, v11;
	v17 =	vor.u32 $0x80, v9;
	v8 =	vand.u32 $0xFFFFFE00, v8  }
0x1af: {  	v11 =	vshll.u32 v12, $0x2;
	v15 =	vld.idx.msk [tilespmem:v9+s3+$0x0], $0xffff;
	v6 =	vor.u32 v6, v8;
	v8 =	vshll.u32 v13, $0x2  }
0x1b0: {  	v11 =	vand.u32 $0xFFFFFE00, v11;
	v13 =	vand.u32 $0x7F, v13;
	v8 =	vand.u32 $0xFFFFFE00, v8  }
0x1b1: {  	v11 =	vor.u32 v16, v11;
	v22 =	vld.idx.msk [tilespmem:v10+s3+$0x0], $0xffff;
	v12 =	vor.u32 v13, v8;
	v8 =	vshll.u32 v14, $0x2  }
0x1b2: {  	v18 =	vld.idx.msk [tilespmem:v5+s3+$0x0], $0xffff;
	v13 =	vand.u32 $0x7F, v14;
	v8 =	vand.u32 $0xFFFFFE00, v8  }
0x1b3: {  	s9 =	simm.s32 $0x1A000;
	v16 =	vld.idx.msk [tilespmem:v7+s3+$0x0], $0xffff;
	v8 =	vor.u32 v13, v8  }
0x1b4: {  	v25 =	vor.u32 $0x80, v5;
	[tilespmem:s9+$0xFFFFE000] =	vst v15;
	v15 =	vld.idx.msk [tilespmem:v6+s3+$0x0], $0xffff  }
0x1b5: {  	v23 =	vld.idx.msk [tilespmem:v17+s3+$0x0], $0xffff;
	v17 =	vor.u32 $0x80, v10  }
0x1b6: {  	v20 =	vor.u32 $0x80, v7;
	v21 =	vld.idx.msk [tilespmem:v11+s3+$0x0], $0xffff  }
0x1b7: {  	s10 =	simm.s32 $0x0;
	s11 =	simm.s32 $0xC0;
	s12 =	simm.s32 $0x1A000;
	v14 =	vor.u32 $0x80, v6;
	v19 =	vor.u32 $0x80, v12;
	v13 =	vor.u32 $0x80, v8;
	v24 =	vld.idx.msk [tilespmem:v12+s3+$0x0], $0xffff  }
.LBB2_5:
0x1b8: {  	s10 =	sadd.s32 $0x8, s10;
	[tilespmem:s9+$0xFFFFE040] =	vst v18;
	v18 =	vld.idx.msk [tilespmem:v8+s3+$0x0], $0xffff;
	s12 =	sadd.s32 $0x80, s12  }
0x1b9: {  	p1 =	slt.u32 s10, $0xF8;
	v25 =	vld.idx.msk [tilespmem:v25+s3+$0x0], $0xffff;
	[tilespmem:s9+$0xFFFFE050] =	vst v22  }
0x1ba: {  	v22 =	vor.u32 $0x100, v9;
	v17 =	vld.idx.msk [tilespmem:v17+s3+$0x0], $0xffff  }
0x1bb: {  	v26 =	vld [tilespmem:s11+$0x10];
	[tilespmem:s9+$0xFFFFF000] =	vst v23  }
0x1bc: {  	v23 =	vld [tilespmem:s11+$0xFFFFFFE0];
	[tilespmem:s9+$0xFFFFE010] =	vst v24;
	v24 =	vor.u32 $0x80, v11  }
0x1bd: {  	v19 =	vld.idx.msk [tilespmem:v19+s3+$0x0], $0xffff;
	[tilespmem:s9+$0xFFFFE020] =	vst v16  }
0x1be: {  	v16 =	vld.idx.msk [tilespmem:v20+s3+$0x0], $0xffff;
	[tilespmem:s9+$0xFFFFE070] =	vst v18  }
0x1bf: {  	v18 =	vld.idx.msk [tilespmem:v22+s3+$0x0], $0xffff;
	[tilespmem:s9+$0xFFFFF040] =	vst v25  }
0x1c0: {  	v20 =	vld [tilespmem:s11+$0xFFFFFFF0];
	[tilespmem:s9+$0xFFFFE030] =	vst v21  }
0x1c1: {  	v21 =	vld.idx.msk [tilespmem:v24+s3+$0x0], $0xffff;
	[tilespmem:s9+$0xFFFFF050] =	vst v17  }
0x1c2: {  	v17 =	vld [tilespmem:s11+$0xFFFFFFC0];
	[tilespmem:s9+$0xFFFFE060] =	vst v15  }
0x1c3: {  	[tilespmem:s9+$0xFFFFF010] =	vst v19;
	v13 =	vld.idx.msk [tilespmem:v13+s3+$0x0], $0xffff  }
0x1c4: {  	v15 =	vld [tilespmem:s11+$0x20];
	[tilespmem:s9+$0xFFFFF020] =	vst v16;
	v16 =	vor.u32 $0x100, v10  }
0x1c5: {  	v19 =	vld [tilespmem:s11+$0x30];
	[tilespmem:s9+$0x0] =	vst v18;
	v18 =	vor.u32 $0x100, v12  }
0x1c6: {  	v24 =	vor.u32 $0x100, v11;
	v22 =	vld [tilespmem:s11+$0xFFFFFFD0]  }
0x1c7: {  	v25 =	vor.u32 $0x180, v9;
	[tilespmem:s9+$0xFFFFF030] =	vst v21;
	v14 =	vld.idx.msk [tilespmem:v14+s3+$0x0], $0xffff  }
0x1c8: {  	v27 =	vor.u32 $0x100, v7;
	v28 =	vor.u32 $0x180, v10;
	v10 =	vor.u32 $0x100, v6;
	v21 =	vld [tilespmem:s11+$0x0]  }
0x1c9: {  	v29 =	vor.u32 $0x100, v5;
	v9 =	vshll.u32 v17, $0x2;
	v16 =	vld.idx.msk [tilespmem:v16+s3+$0x0], $0xffff;
	[tilespmem:s9+$0xFFFFF070] =	vst v13;
	v13 =	vor.u32 $0x100, v8  }
0x1ca: {  	v9 =	vand.u32 $0xFFFFFE00, v9;
	v30 =	vand.u32 $0x7F, v19;
	v19 =	vshll.u32 v19, $0x2;
	v18 =	vld.idx.msk [tilespmem:v18+s3+$0x0], $0xffff  }
0x1cb: {  	v11 =	vor.u32 $0x180, v11;
	v17 =	vand.u32 $0x7F, v17;
	v19 =	vand.u32 $0xFFFFFE00, v19;
	v24 =	vld.idx.msk [tilespmem:v24+s3+$0x0], $0xffff  }
0x1cc: {  	v12 =	vor.u32 $0x180, v12;
	v9 =	vor.u32 v17, v9;
	v17 =	vshll.u32 v26, $0x2;
	v25 =	vld.idx.msk [tilespmem:v25+s3+$0x0], $0xffff  }
0x1cd: {  	v31 =	vshll.u32 v20, $0x2;
	v19 =	vor.u32 v30, v19;
	v32 =	vshll.u32 v21, $0x2;
	v27 =	vld.idx.msk [tilespmem:v27+s3+$0x0], $0xffff;
	[tilespmem:s9+$0xFFFFF060] =	vst v14  }
0x1ce: {  	v26 =	vand.u32 $0x7F, v26;
	v14 =	vand.u32 $0xFFFFFE00, v31;
	v21 =	vand.u32 $0x7F, v21;
	v30 =	vld.idx.msk [tilespmem:v10+s3+$0x0], $0xffff  }
0x1cf: {  	v17 =	vand.u32 $0xFFFFFE00, v17;
	v31 =	vor.u32 $0x180, v7;
	v10 =	vand.u32 $0xFFFFFE00, v32;
	[tilespmem:s9+$0x50] =	vst v16;
	v13 =	vld.idx.msk [tilespmem:v13+s3+$0x0], $0xffff  }
0x1d0: {  	v7 =	vshll.u32 v23, $0x2;
	v16 =	vor.u32 v21, v10;
	v10 =	vor.u32 v26, v17;
	[tilespmem:s9+$0x10] =	vst v18;
	v17 =	vld.idx.msk [tilespmem:v29+s3+$0x0], $0xffff  }
0x1d1: {  	v7 =	vand.u32 $0xFFFFFE00, v7;
	v18 =	vor.u32 $0x180, v8;
	v8 =	vmov v19;
	v12 =	vld.idx.msk [tilespmem:v12+s3+$0x0], $0xffff;
	[tilespmem:s9+$0x30] =	vst v24  }
0x1d2: {  	v19 =	vand.u32 $0x7F, v23;
	v23 =	vor.u32 $0x180, v5;
	v5 =	vmovc v16;
	v24 =	vor.u32 $0x180, v6;
	[tilespmem:s9+$0x1000] =	vst v25;
	v21 =	vld.idx.msk [tilespmem:v11+s3+$0x0], $0xffff  }
0x1d3: {  	v26 =	vor.u32 $0x80, v9;
	v7 =	vor.u32 v19, v7;
	v6 =	vand.u32 $0x7F, v20;
	[tilespmem:s9+$0x20] =	vst v27;
	v16 =	vld.idx.msk [tilespmem:v28+s3+$0x0], $0xffff  }
0x1d4: {  	v11 =	vor.u32 v6, v14;
	v6 =	vshll.u32 v15, $0x2;
	v14 =	vld.idx.msk [tilespmem:v31+s3+$0x0], $0xffff;
	[tilespmem:s9+$0x60] =	vst v30  }
0x1d5: {  	v15 =	vand.u32 $0x7F, v15;
	v6 =	vand.u32 $0xFFFFFE00, v6;
	v20 =	vld.idx.msk [tilespmem:v9+s3+$0x0], $0xffff;
	[tilespmem:s9+$0x70] =	vst v13  }
0x1d6: {  	v6 =	vor.u32 v15, v6;
	[tilespmem:s9+$0x40] =	vst v17;
	v27 =	vld.idx.msk [tilespmem:v18+s3+$0x0], $0xffff  }
0x1d7: {  	v13 =	vshll.u32 v22, $0x2;
	v17 =	vor.u32 $0x80, v10;
	v18 =	vld.idx.msk [tilespmem:v5+s3+$0x0], $0xffff;
	[tilespmem:s9+$0x1010] =	vst v12  }
0x1d8: {  	v15 =	vand.u32 $0xFFFFFE00, v13;
	v13 =	vor.u32 $0x80, v8;
	v12 =	vand.u32 $0x7F, v22;
	[tilespmem:s9+$0x1030] =	vst v21;
	v21 =	vld.idx.msk [tilespmem:v23+s3+$0x0], $0xffff  }
0x1d9: {  	v12 =	vor.u32 v12, v15;
	[tilespmem:s9+$0x1050] =	vst v16;
	v28 =	vld.idx.msk [tilespmem:v24+s3+$0x0], $0xffff  }
0x1da: {  	v19 =	vor.u32 $0x80, v12;
	v16 =	vld.idx.msk [tilespmem:v7+s3+$0x0], $0xffff  }
.Ltmp3:
0x1db: {  	[tilespmem:s12+$0xFFFFE000] =	vst v20;
	v20 =	vor.u32 $0x80, v7;
	v22 =	vld.idx.msk [tilespmem:v10+s3+$0x0], $0xffff;
	(pc) =	sbr.rel @p1 .LBB2_5-.Ltmp3, $4  }
0x1dc: {  	v25 =	vor.u32 $0x80, v5;
	v15 =	vld.idx.msk [tilespmem:v6+s3+$0x0], $0xffff;
	[tilespmem:s9+$0x1070] =	vst v27  }
0x1dd: {  	v23 =	vld.idx.msk [tilespmem:v26+s3+$0x0], $0xffff;
	[tilespmem:s9+$0x1020] =	vst v14  }
0x1de: {  	v24 =	vld.idx.msk [tilespmem:v12+s3+$0x0], $0xffff;
	[tilespmem:s9+$0x1040] =	vst v21  }
0x1df: {  	s11 =	sadd.s32 $0x80, s11;
	v14 =	vor.u32 $0x80, v6;
	v21 =	vld.idx.msk [tilespmem:v11+s3+$0x0], $0xffff;
	[tilespmem:s9+$0x1060] =	vst v28;
	s9 =	smov.u32 s12  }
0x1e0: {  	_ =	sdelay $0x1  }
0x1e1: {  	[tilespmem:s9+$0xFFFFE040] =	vst v18  }
0x1e2: {  	[tilespmem:s9+$0xFFFFE050] =	vst v22  }
0x1e3: {  	v36 =	vld.idx.msk [tilespmem:v8+s3+$0x0], $0xffff;
	[tilespmem:s9+$0xFFFFE020] =	vst v16  }
0x1e4: {  	v38 =	vor.u32 $0x80, v11;
	v37 =	vld.idx.msk [tilespmem:v25+s3+$0x0], $0xffff;
	[tilespmem:s9+$0xFFFFE060] =	vst v15  }
0x1e5: {  	v39 =	vor.u32 $0x100, v9;
	v17 =	vld.idx.msk [tilespmem:v17+s3+$0x0], $0xffff;
	[tilespmem:s9+$0xFFFFF000] =	vst v23  }
0x1e6: {  	v41 =	vld.idx.msk [tilespmem:v20+s3+$0x0], $0xffff;
	[tilespmem:s9+$0xFFFFE010] =	vst v24  }
0x1e7: {  	v42 =	vor.u32 $0x100, v10;
	v14 =	vld.idx.msk [tilespmem:v14+s3+$0x0], $0xffff;
	[tilespmem:s9+$0xFFFFE030] =	vst v21  }
0x1e8: {  	v48 =	vor.u32 $0x100, v7;
	v40 =	vld.idx.msk [tilespmem:v19+s3+$0x0], $0xffff;
	[tilespmem:s9+$0xFFFFE070] =	vst v36  }
0x1e9: {  	v53 =	vor.u32 $0x100, v5;
	v43 =	vld.idx.msk [tilespmem:v38+s3+$0x0], $0xffff;
	[tilespmem:s9+$0xFFFFF040] =	vst v37  }
0x1ea: {  	v51 =	vor.u32 $0x100, v6;
	v45 =	vld.idx.msk [tilespmem:v39+s3+$0x0], $0xffff;
	[tilespmem:s9+$0xFFFFF050] =	vst v17  }
0x1eb: {  	v44 =	vor.u32 $0x100, v12;
	v13 =	vld.idx.msk [tilespmem:v13+s3+$0x0], $0xffff;
	[tilespmem:s9+$0xFFFFF020] =	vst v41  }
0x1ec: {  	v46 =	vor.u32 $0x100, v11;
	v49 =	vld.idx.msk [tilespmem:v42+s3+$0x0], $0xffff;
	[tilespmem:s9+$0xFFFFF060] =	vst v14  }
0x1ed: {  	v47 =	vor.u32 $0x180, v9;
	v56 =	vld.idx.msk [tilespmem:v48+s3+$0x0], $0xffff;
	[tilespmem:s9+$0xFFFFF010] =	vst v40  }
0x1ee: {  	v50 =	vor.u32 $0x100, v8;
	v61 =	vld.idx.msk [tilespmem:v53+s3+$0x0], $0xffff;
	[tilespmem:s9+$0xFFFFF030] =	vst v43  }
0x1ef: {  	v57 =	vor.u32 $0x180, v10;
	v59 =	vld.idx.msk [tilespmem:v51+s3+$0x0], $0xffff;
	[tilespmem:s9+$0x0] =	vst v45  }
0x1f0: {  	v7 =	vor.u32 $0x180, v7;
	v52 =	vld.idx.msk [tilespmem:v44+s3+$0x0], $0xffff;
	[tilespmem:s9+$0xFFFFF070] =	vst v13  }
0x1f1: {  	v5 =	vor.u32 $0x180, v5;
	v17 =	vld.idx.msk [tilespmem:v46+s3+$0x0], $0xffff;
	[tilespmem:s9+$0x50] =	vst v49  }
0x1f2: {  	v6 =	vor.u32 $0x180, v6;
	v9 =	vld.idx.msk [tilespmem:v47+s3+$0x0], $0xffff;
	[tilespmem:s9+$0x20] =	vst v56  }
0x1f3: {  	v54 =	vor.u32 $0x180, v12;
	v58 =	vld.idx.msk [tilespmem:v50+s3+$0x0], $0xffff;
	[tilespmem:s9+$0x40] =	vst v61  }
0x1f4: {  	v55 =	vor.u32 $0x180, v11;
	v10 =	vld.idx.msk [tilespmem:v57+s3+$0x0], $0xffff;
	[tilespmem:s9+$0x60] =	vst v59  }
0x1f5: {  	v60 =	vor.u32 $0x180, v8;
	v7 =	vld.idx.msk [tilespmem:v7+s3+$0x0], $0xffff;
	[tilespmem:s9+$0x10] =	vst v52  }
0x1f6: {  	v5 =	vld.idx.msk [tilespmem:v5+s3+$0x0], $0xffff;
	[tilespmem:s9+$0x30] =	vst v17  }
0x1f7: {  	v6 =	vld.idx.msk [tilespmem:v6+s3+$0x0], $0xffff;
	[tilespmem:s9+$0x1000] =	vst v9  }
0x1f8: {  	v12 =	vld.idx.msk [tilespmem:v54+s3+$0x0], $0xffff;
	[tilespmem:s9+$0x70] =	vst v58  }
0x1f9: {  	v62 =	vld.idx.msk [tilespmem:v55+s3+$0x0], $0xffff;
	[tilespmem:s9+$0x1050] =	vst v10  }
0x1fa: {  	v8 =	vld.idx.msk [tilespmem:v60+s3+$0x0], $0xffff;
	[tilespmem:s9+$0x1020] =	vst v7  }
0x1fb: {  	[tilespmem:s9+$0x1040] =	vst v5  }
0x1fc: {  	[tilespmem:s9+$0x1060] =	vst v6  }
0x1fd: {  	[tilespmem:s9+$0x1010] =	vst v12  }
0x1fe: {  	[tilespmem:s9+$0x1030] =	vst v62  }
0x1ff: {  	[tilespmem:s9+$0x1070] =	vst v8  }
0x200: {  	_ =	swait.ge [sflag:s22], $0x200  }
0x201: {  	[sflag:s22] =	ssyncset.done $0x0  }
0x202: {  	[sflag:s22] =	ssyncadd.s32 $0xFFFFFE00  }
0x203: {  	_ =	swait.ge [sflag:s22], $0x200  }
0x204: {  	[sflag:s22] =	ssyncset.done $0x0  }
0x205: {  	[sflag:s22] =	ssyncadd.s32 $0xFFFFFE00  }
0x206: {  	_ =	swait.ge [sflag:s22], $0x200  }
0x207: {  	[sflag:s22] =	ssyncset.done $0x0  }
0x208: {  	[sflag:s22] =	ssyncadd.s32 $0xFFFFFE00  }
0x209: {  	_ =	swait.ge [sflag:s22], $0x200  }
0x20a: {  	[sflag:s22] =	ssyncset.done $0x0  }
0x20b: {  	s11 =	simm.s32 $0x400;
	s10 =	simm.s32 $0x18000;
	[sflag:s22] =	ssyncadd.s32 $0xFFFFFE00  }
0x20c: {  	[spmem:s15] =	stream.strided.scatter [tilespmem:s10], [sflag:$0x5], $0x4000, s11, s16, $0x38;
	v63 =	vld [tilespmem:$0x0]  }
0x20d: {  	_ =	swait.ge [sflag:s4], $0x4000  }
0x20e: {  	[sflag:s4] =	ssyncset.done $0x0;
	s12 =	rddreg [dreg:$0x1e]  }
0x20f: {  	[sflag:s4] =	ssyncadd.s32 $0xFFFFC000;
	s9 =	sadd.s32 s17, s12  }
0x210: {  	[hbm:s9@s16], [sflag:s18] =	dma.strided [spmem:s19@s16], $0x200, s25, $0x10   }
0x211: {  	s9 =	rddreg [dreg:$0x1f]  }
0x212: {  	s9 =	sadd.s32 s17, s9  }
0x213: {  	[hbm:s9@s16], [sflag:s18] =	dma.strided [spmem:s1@s16], $0x200, s25, $0x10   }
0x214: {  	s1 =	sld [smem:$0x7FC];
	_ =	sdelay $0x2  }
0x215: {  	s1 =	sadd.s32 s17, s1  }
0x216: {  	[hbm:s1@s16], [sflag:s18] =	dma.strided [spmem:s20@s16], $0x200, s25, $0x10   }
.Ltmp4:
0x217: {  	s1 =	sld [smem:$0x7FD];
	(pc) =	sbr.rel @p0 .LBB2_8-.Ltmp4, $3  }
0x218: {  	_ =	sdelay $0x1  }
0x219: {  	s1 =	sadd.s32 s17, s1  }
0x21a: {  	[hbm:s1@s16], [sflag:s18] =	dma.strided [spmem:s21@s16], $0x200, s25, $0x10   }
0x21b: {  	s1 =	sshrl.u32 s7, $0x2  }
0x21c: {  	v5 =	vld.msk [tilespmem:s1+$0x1180], $0xf;
	_ =	sdelay $0x4  }
0x21d: {  	v6 =	vshll.u32 v5, $0x6  }
0x21e: {  	v5 =	vand.u32 $0x7, v5;
	v6 =	vand.u32 $0xFFFFFE00, v6  }
0x21f: {  	v5 =	vor.u32 v5, v6  }
0x220: {  	v5 =	vperm.xlane v5, v0;
	_ =	sdelay $0x1  }
0x221: {  	v5 =	vadd.s32 v1, v5;
	_ =	sdelay $0x4  }
0x222: {  	[tilespmem:s3], [sflag:$0x2] =	stream.indirect_vreg.gather [hbm4b:s13+s6], $0x80, v5, vm0, $0xb8;
	v63 =	vld [tilespmem:$0x0]  }
0x223: {  	s21 =	simm.s32 $0xC800  }
0x224: {  	[tilespmem:s21], [sflag:$0x2] =	stream.indirect_vreg.gather [hbm4b:s14+s6], $0x80, v5, vm0, $0xb8;
	v63 =	vld [tilespmem:$0x0]  }
0x225: {  	s7 =	rddreg [dreg:$0xa];
	s9 =	simm.s32 $0xD000  }
0x226: {  	[tilespmem:s9], [sflag:$0x2] =	stream.indirect_vreg.gather [hbm4b:s7+s6], $0x80, v5, vm0, $0xb8;
	v63 =	vld [tilespmem:$0x0]  }
0x227: {  	s11 =	smov.u32 s13;
	s10 =	rddreg [dreg:$0xb];
	s13 =	simm.s32 $0xD800  }
0x228: {  	[tilespmem:s13], [sflag:$0x2] =	stream.indirect_vreg.gather [hbm4b:s10+s6], $0x80, v5, vm0, $0xb8;
	v63 =	vld [tilespmem:$0x0]  }
0x229: {  	s12 =	smov.u32 s14;
	s17 =	simm.s32 $0xE000;
	s14 =	rddreg [dreg:$0xc]  }
0x22a: {  	[tilespmem:s17], [sflag:$0x2] =	stream.indirect_vreg.gather [hbm4b:s14+s6], $0x80, v5, vm0, $0xb8;
	v63 =	vld [tilespmem:$0x0]  }
0x22b: {  	s18 =	rddreg [dreg:$0xd];
	s19 =	simm.s32 $0xE800  }
0x22c: {  	[tilespmem:s19], [sflag:$0x2] =	stream.indirect_vreg.gather [hbm4b:s18+s6], $0x80, v5, vm0, $0xb8;
	v63 =	vld [tilespmem:$0x0]  }
0x22d: {  	s20 =	rddreg [dreg:$0xe];
	s21 =	simm.s32 $0xF000  }
0x22e: {  	[tilespmem:s21], [sflag:$0x2] =	stream.indirect_vreg.gather [hbm4b:s20+s6], $0x80, v5, vm0, $0xb8;
	v63 =	vld [tilespmem:$0x0]  }
0x22f: {  	s9 =	simm.s32 $0xF800  }
0x230: {  	[tilespmem:s9], [sflag:$0x2] =	stream.indirect_vreg.gather [hbm4b:s23+s6], $0x80, v5, vm0, $0xb8;
	v63 =	vld [tilespmem:$0x0]  }
0x231: {  	s10 =	simm.s32 $0x10000  }
0x232: {  	[tilespmem:s10], [sflag:$0x2] =	stream.indirect_vreg.gather [hbm4b:s26+s6], $0x80, v5, vm0, $0xb8;
	v63 =	vld [tilespmem:$0x0]  }
0x233: {  	s13 =	simm.s32 $0x10800  }
0x234: {  	[tilespmem:s13], [sflag:$0x2] =	stream.indirect_vreg.gather [hbm4b:s28+s6], $0x80, v5, vm0, $0xb8;
	v63 =	vld [tilespmem:$0x0]  }
0x235: {  	s14 =	simm.s32 $0x11000  }
0x236: {  	[tilespmem:s14], [sflag:$0x2] =	stream.indirect_vreg.gather [hbm4b:s29+s6], $0x80, v5, vm0, $0xb8;
	v63 =	vld [tilespmem:$0x0]  }
0x237: {  	s17 =	simm.s32 $0x11800  }
0x238: {  	[tilespmem:s17], [sflag:$0x2] =	stream.indirect_vreg.gather [hbm4b:s30+s6], $0x80, v5, vm0, $0xb8;
	v63 =	vld [tilespmem:$0x0]  }
0x239: {  	s18 =	simm.s32 $0x12000  }
0x23a: {  	[tilespmem:s18], [sflag:$0x2] =	stream.indirect_vreg.gather [hbm4b:s31+s6], $0x80, v5, vm0, $0xb8;
	v63 =	vld [tilespmem:$0x0]  }
0x23b: {  	s19 =	simm.s32 $0x12800  }
0x23c: {  	[tilespmem:s19], [sflag:$0x2] =	stream.indirect_vreg.gather [hbm4b:s2+s6], $0x80, v5, vm0, $0xb8;
	v63 =	vld [tilespmem:$0x0]  }
.Ltmp5:
0x23d: {  	_ = 	snop;
	(pc) =	sbr.rel .LBB2_2-.Ltmp5, $4  }
0x23e: {  	s20 =	simm.s32 $0x13000  }
0x23f: {  	[tilespmem:s20], [sflag:$0x2] =	stream.indirect_vreg.gather [hbm4b:s0+s6], $0x80, v5, vm0, $0xb8;
	v63 =	vld [tilespmem:$0x0]  }
0x240: {  	s24 =	sadd.s32 $0x1, s24;
	s21 =	simm.s32 $0x13800  }
0x241: {  	[tilespmem:s21], [sflag:$0x2] =	stream.indirect_vreg.gather [hbm4b:s8+s6], $0x80, v5, vm0, $0xb8;
	v63 =	vld [tilespmem:$0x0]  }
.LBB2_9:
0x242: {  	_ =	sfence.sel $0x180000  }
0x243: {  	[bflag:$0x0] =	sbarrier.arrive $0xFFFF  }
0x244: {  	_ =	strace $0x90000047  }
0x245: {  	s0 =	stileid.u32;
	[bflag:$0x2] =	sbarrier.arrive $0xFFFF  }
0x246: {  	p0 =	sne.s32 s0, $0x0;
	s0 =	rddreg [dreg:$0x7]  }
0x247: {  	s0 =	sadd.s32 @!p0 $0x100000, s0  }
0x248: {  	[sflag:s0] =	ssyncadd.tile.s32 @!p0 $0x1;
	_ =	shalt  }
.Lfunc_end2:
_tile_overlayer_lowered:
.L_overlay_start_2:
0x249: {  	(tag) =	ssettag $0x2  }
0x24a: {  	s0 =	rddreg [dreg:$0x0];
	s2 =	stileid.u32  }
0x24b: {  	s1 =	rddreg [dreg:$0x1];
	p0 =	sne.s32 s2, $0x0  }
0x24c: {  	s3 =	rddreg [dreg:$0x2];
	[bflag:$0x3] =	sbarrier.arrive $0xFFFF;
	s2 =	simm.s32 @!p0 $0x1C05  }
0x24d: {  	[timem:s3], [sflag:s2] =	dma.local @!p0 [hbm:s0], s1  }
0x24e: {  	s0 =	simm.s32 @!p0 $0x5  }
0x24f: {  	_ =	swait.ge @!p0 [sflag:s0], s1  }
0x250: {  	s1 =	ssub.s32 @!p0 $0x0, s1;
	[sflag:s0] =	ssyncset.done @!p0 $0x0  }
0x251: {  	[sflag:s0] =	ssyncadd.s32 @!p0 s1  }
0x252: {  	[bflag:$0x3] =	sbarrier.arrive $0xFFFF  }
0x253: {  	_ =	shalt  }

</sc_bundles>
